<compile_context>
chip_gen: v7x
topology: tpu7x:2x2x1
jax: 0.10.2.dev20260603
libtpu: 0.0.44.dev20260713+nightly
codegen_flags: <defaults>
</compile_context>

<pallas_src>
import functools

import jax
import jax.numpy as jnp
from jax import lax
from jax.experimental import pallas as pl
from jax.experimental.pallas import tpu as pltpu
from jax.experimental.pallas import tpu_sc as plsc

_B, _S, _D, _E = 4, 4096, 2048, 16
_N = _B * _S
_BT = 1024
_NCHUNK = 2
_CN = _N // _NCHUNK
_NC, _NS = 2, 16
_NW = _NC * _NS
_TPW = _CN // _NW
_L = 16
_GRP = _TPW // _L


def _logits_body(h_ref, w_ref, b_ref, out_ref):
    acc = lax.dot_general(
        h_ref[...], w_ref[...],
        (((1,), (1,)), ((), ())),
        preferred_element_type=jnp.float32,
    )
    out_ref[...] = acc + b_ref[...]


def _logits_tc(h, wt, b2, chunk):
    nblk = _CN // _BT
    return pl.pallas_call(
        _logits_body,
        grid=(nblk,),
        in_specs=[
            pl.BlockSpec((_BT, _D), lambda i, c=chunk: (i + c * nblk, 0)),
            pl.BlockSpec((_E, _D), lambda i: (0, 0)),
            pl.BlockSpec((1, _E), lambda i: (0, 0)),
        ],
        out_specs=pl.BlockSpec((_BT, _E), lambda i: (i, 0)),
        out_shape=jax.ShapeDtypeStruct((_CN, _E), jnp.float32),
    )(h, wt, b2)


def _make_router_sc(chunk):
    @functools.partial(
        pl.kernel,
        mesh=plsc.VectorSubcoreMesh(core_axis_name="c", subcore_axis_name="s"),
        out_type=(
            jax.ShapeDtypeStruct((_E, _N), jnp.float32),
            jax.ShapeDtypeStruct((_CN, 2), jnp.int32),
        ),
        scratch_types=[
            pltpu.VMEM((_TPW, _E), jnp.float32),
            pltpu.VMEM((_E, _TPW), jnp.float32),
            pltpu.VMEM((_TPW, 2), jnp.int32),
            pltpu.VMEM((_GRP, _L), jnp.float32),
            pltpu.VMEM((_L, _E), jnp.float32),
        ],
        compiler_params=pltpu.CompilerParams(
            needs_layout_passes=False, use_tc_tiling_on_sc=True
        ),
    )
    def _router_sc(logits_hbm, mmf_hbm, vb_hbm, scores_hbm, idx_hbm,
                   lblk, sblk, iblk, mblk, vblk):
        wid = lax.axis_index("s") * _NC + lax.axis_index("c")
        base = wid * _TPW
        pltpu.sync_copy(logits_hbm.at[pl.ds(base, _TPW), :], lblk)
        pltpu.sync_copy(mmf_hbm.at[pl.ds(wid * _GRP, _GRP), :], mblk)
        pltpu.sync_copy(vb_hbm, vblk)
        lanes = lax.iota(jnp.int32, _L)
        vbs = [plsc.load_gather(vblk, [lanes, jnp.full((_L,), e, jnp.int32)])
               for e in range(_E)]

        def group(g, carry):
            row = g * _L + lanes
            mask = plsc.load_gather(mblk, [jnp.full((_L,), g, jnp.int32), lanes])
            v0 = jnp.full((_L,), -jnp.inf, jnp.float32)
            v1 = jnp.full((_L,), -jnp.inf, jnp.float32)
            i0 = jnp.zeros((_L,), jnp.int32)
            i1 = jnp.zeros((_L,), jnp.int32)
            for e in range(_E):
                ev = jnp.full((_L,), e, jnp.int32)
                col = plsc.load_gather(lblk, [row, ev]) + mask * vbs[e]
                gt0 = col > v0
                gt1 = col > v1
                v1 = jnp.where(gt0, v0, jnp.where(gt1, col, v1))
                i1 = jnp.where(gt0, i0, jnp.where(gt1, ev, i1))
                v0 = jnp.where(gt0, col, v0)
                i0 = jnp.where(gt0, ev, i0)
            t = jnp.exp(v1 - v0)
            denom = 1.0 + t
            p0 = 1.0 / denom
            p1 = t / denom
            zero = jnp.zeros((_L,), jnp.float32)
            for e in range(_E):
                ev = jnp.full((_L,), e, jnp.int32)
                se = (jnp.where(i0 == ev, p0, zero)
                      + jnp.where(i1 == ev, p1, zero))
                sblk[e, pl.ds(g * _L, _L)] = se
            plsc.store_scatter(iblk, [row, jnp.zeros((_L,), jnp.int32)], i0)
            plsc.store_scatter(iblk, [row, jnp.ones((_L,), jnp.int32)], i1)
            return carry

        lax.fori_loop(0, _GRP, group, 0)
        pltpu.sync_copy(
            sblk, scores_hbm.at[:, pl.ds(chunk * _CN + base, _TPW)])
        pltpu.sync_copy(iblk, idx_hbm.at[pl.ds(base, _TPW), :])

    return _router_sc


_router_sc_chunks = [_make_router_sc(c) for c in range(_NCHUNK)]


def kernel(hidden_states, modality_mask, weight, bias, vision_bias):
    h = hidden_states.reshape(_N, _D)
    mmf = modality_mask.reshape(_N).astype(jnp.float32)
    b2 = bias.reshape(1, _E)
    wt = weight
    vb16 = jnp.broadcast_to(vision_bias[None, :], (_L, _E))
    scores_parts = []
    idx_parts = []
    for c in range(_NCHUNK):
        logits_c = _logits_tc(h, wt, b2, c)
        mmf_c = lax.dynamic_slice(mmf, (c * _CN,), (_CN,)).reshape(_NW * _GRP, _L)
        st_c, i_c = _router_sc_chunks[c](logits_c, mmf_c, vb16)
        scores_parts.append(st_c)
        idx_parts.append(i_c)
    col = lax.broadcasted_iota(jnp.int32, (_E, _N), 1)
    parts = scores_parts
    bound = _CN
    while len(parts) > 1:
        parts = [jnp.where((col // bound) % 2 == 0, parts[i], parts[i + 1])
                 for i in range(0, len(parts), 2)]
        bound *= 2
    scores = parts[0].T
    indices = jnp.concatenate(idx_parts, axis=0)
    return scores, indices

# --- scband reference (transcript-rebuilt; emitter-appended) ---
"""Pipeline reference for scband-gpt-oss-top-krouter-4973572129411 (READ-ONLY COPY).

The authoritative reference and input builder live on the scoring server;
editing this copy changes nothing except your own understanding.
"""

import jax, jax.numpy as jnp
import numpy as np

B, S, D, E, K = 4, 4096, 2048, 16, 2

def setup_inputs(seed: int = 0) -> dict:
    key = jax.random.key(seed)
    k1, k2, k3, k4, k5 = jax.random.split(key, 5)
    hidden_states = jax.random.normal(k1, (B, S, D), dtype=jnp.float32)
    modality_mask = jax.random.randint(k2, (B, S), 0, 2) == 1
    weight = jax.random.normal(k3, (E, D), dtype=jnp.float32) * 0.02
    bias = jax.random.normal(k4, (E,), dtype=jnp.float32) * 0.02
    vision_bias = jax.random.normal(k5, (E,), dtype=jnp.float32) * 0.02
    return {
        "hidden_states": hidden_states,
        "modality_mask": modality_mask,
        "weight": weight,
        "bias": bias,
        "vision_bias": vision_bias,
    }

def reference(hidden_states, modality_mask, weight, bias, vision_bias):
    # flatten (batch, seq, dim) -> (num_tokens, dim)
    h = hidden_states.reshape(-1, D)
    mm = modality_mask.reshape(-1)
    # router logits = F.linear(h, weight, bias)
    router_logits = h @ weight.T + bias
    # apply vision bias only on vision tokens (equivalent to masked in-place add)
    router_logits = router_logits + jnp.where(mm, 1.0, 0.0)[:, None] * vision_bias.astype(router_logits.dtype)
    # top-k selection
    router_top_value, router_indices = jax.lax.top_k(router_logits, K)
    # softmax over the selected top-k values (dim=1)
    router_top_value = jax.nn.softmax(router_top_value, axis=-1)
    # scatter soft values back into dense (num_tokens, num_experts)
    N = router_logits.shape[0]
    router_scores = jnp.zeros_like(router_logits).at[jnp.arange(N)[:, None], router_indices].set(router_top_value)
    return router_scores, router_indices

if __name__ == "__main__":
    import jax
    _d = setup_inputs()
    print(jax.jit(kernel)(*tuple(_d.values())))

</pallas_src>

<mosaic_0001>
#map = affine_map<(d0, d1) -> (0, 0)>
module attributes {stable_mosaic.version = 14 : i64} {
  func.func @_router_sc(%arg0: i32, %arg1: i32, %arg2: memref<8192x16xf32, #tpu.memory_space<hbm>>, %arg3: memref<512x16xf32, #tpu.memory_space<hbm>>, %arg4: memref<16x16xf32, #tpu.memory_space<hbm>>, %arg5: memref<16x16384xf32, #tpu.memory_space<hbm>>, %arg6: memref<8192x2xi32, #tpu.memory_space<hbm>>, %arg7: memref<256x16xf32, #tpu.memory_space<vmem>>, %arg8: memref<16x256xf32, #tpu.memory_space<vmem>>, %arg9: memref<256x2xi32, #tpu.memory_space<vmem>>, %arg10: memref<16x16xf32, #tpu.memory_space<vmem>>, %arg11: memref<16x16xf32, #tpu.memory_space<vmem>>) attributes {dimension_semantics = [#tpu.dimension_semantics<core_parallel>, #tpu.dimension_semantics<subcore_parallel>], iteration_bounds = array<i64: 2, 16>, scalar_prefetch = 0 : i64, scratch_operands = 5 : i64, tpu.core_type = #tpu.core_type<sc_vector_subcore>, window_params = [{transform_indices = #map}, {transform_indices = #map}, {transform_indices = #map}, {transform_indices = #map}, {transform_indices = #map}]} {
    %mul3A = arith.constant 2 : i32
    %mul3A_0 = arith.muli %arg1, %mul3A : i32
    %add3A = arith.addi %mul3A_0, %arg0 : i32
    %mul3A_1 = arith.constant 256 : i32
    %mul3A_2 = arith.muli %add3A, %mul3A_1 : i32
    "tpu.region"() ({
      %run_scoped3A = tpu.sem_alloc : memref<!tpu.dma_semaphore, #tpu.memory_space<semaphore_mem>>
      %dma_start3A = arith.constant 0 : i32
      %dma_start3A_58 = tpu.memref_slice %arg2[%mul3A_2, %dma_start3A] : memref<8192x16xf32, #tpu.memory_space<hbm>> -> memref<256x16xf32, #tpu.memory_space<hbm>>
      %dma_start3A_59 = arith.constant 0 : i32
      %dma_start3A_60 = tpu.memref_slice %arg2[%mul3A_2, %dma_start3A_59] : memref<8192x16xf32, #tpu.memory_space<hbm>> -> memref<256x16xf32, #tpu.memory_space<hbm>>
      tpu.enqueue_dma source(%dma_start3A_60 : memref<256x16xf32, #tpu.memory_space<hbm>>) target(%arg7 : memref<256x16xf32, #tpu.memory_space<vmem>>) target_semaphore(%run_scoped3A : memref<!tpu.dma_semaphore, #tpu.memory_space<semaphore_mem>>)
      %dma_wait3A = arith.constant 0 : i32
      %dma_wait3A_61 = tpu.memref_slice %arg2[%mul3A_2, %dma_wait3A] : memref<8192x16xf32, #tpu.memory_space<hbm>> -> memref<256x16xf32, #tpu.memory_space<hbm>>
      %dma_wait3A_62 = arith.constant 0 : i32
      %dma_wait3A_63 = tpu.memref_slice %arg2[%mul3A_2, %dma_wait3A_62] : memref<8192x16xf32, #tpu.memory_space<hbm>> -> memref<256x16xf32, #tpu.memory_space<hbm>>
      tpu.wait_dma2 semaphore(%run_scoped3A : memref<!tpu.dma_semaphore, #tpu.memory_space<semaphore_mem>>) src(%dma_wait3A_63 : memref<256x16xf32, #tpu.memory_space<hbm>>) dst(%arg7 : memref<256x16xf32, #tpu.memory_space<vmem>>)
      tpu.yield
    }) : () -> ()
    %mul3A_3 = arith.constant 16 : i32
    %mul3A_4 = arith.muli %add3A, %mul3A_3 : i32
    "tpu.region"() ({
      %run_scoped3A = tpu.sem_alloc : memref<!tpu.dma_semaphore, #tpu.memory_space<semaphore_mem>>
      %dma_start3A = arith.constant 0 : i32
      %dma_start3A_58 = tpu.memref_slice %arg3[%mul3A_4, %dma_start3A] : memref<512x16xf32, #tpu.memory_space<hbm>> -> memref<16x16xf32, #tpu.memory_space<hbm>>
      %dma_start3A_59 = arith.constant 0 : i32
      %dma_start3A_60 = tpu.memref_slice %arg3[%mul3A_4, %dma_start3A_59] : memref<512x16xf32, #tpu.memory_space<hbm>> -> memref<16x16xf32, #tpu.memory_space<hbm>>
      tpu.enqueue_dma source(%dma_start3A_60 : memref<16x16xf32, #tpu.memory_space<hbm>>) target(%arg10 : memref<16x16xf32, #tpu.memory_space<vmem>>) target_semaphore(%run_scoped3A : memref<!tpu.dma_semaphore, #tpu.memory_space<semaphore_mem>>)
      %dma_wait3A = arith.constant 0 : i32
      %dma_wait3A_61 = tpu.memref_slice %arg3[%mul3A_4, %dma_wait3A] : memref<512x16xf32, #tpu.memory_space<hbm>> -> memref<16x16xf32, #tpu.memory_space<hbm>>
      %dma_wait3A_62 = arith.constant 0 : i32
      %dma_wait3A_63 = tpu.memref_slice %arg3[%mul3A_4, %dma_wait3A_62] : memref<512x16xf32, #tpu.memory_space<hbm>> -> memref<16x16xf32, #tpu.memory_space<hbm>>
      tpu.wait_dma2 semaphore(%run_scoped3A : memref<!tpu.dma_semaphore, #tpu.memory_space<semaphore_mem>>) src(%dma_wait3A_63 : memref<16x16xf32, #tpu.memory_space<hbm>>) dst(%arg10 : memref<16x16xf32, #tpu.memory_space<vmem>>)
      tpu.yield
    }) : () -> ()
    "tpu.region"() ({
      %run_scoped3A = tpu.sem_alloc : memref<!tpu.dma_semaphore, #tpu.memory_space<semaphore_mem>>
      tpu.enqueue_dma source(%arg4 : memref<16x16xf32, #tpu.memory_space<hbm>>) target(%arg11 : memref<16x16xf32, #tpu.memory_space<vmem>>) target_semaphore(%run_scoped3A : memref<!tpu.dma_semaphore, #tpu.memory_space<semaphore_mem>>)
      tpu.wait_dma2 semaphore(%run_scoped3A : memref<!tpu.dma_semaphore, #tpu.memory_space<semaphore_mem>>) src(%arg4 : memref<16x16xf32, #tpu.memory_space<hbm>>) dst(%arg11 : memref<16x16xf32, #tpu.memory_space<vmem>>)
      tpu.yield
    }) : () -> ()
    %iota3A = tpu.iota {dimensions = array<i32: 0>} : vector<16xi32>
    %broadcast_in_dim3A = arith.constant 0 : i32
    %broadcast_in_dim3A_5 = vector.broadcast %broadcast_in_dim3A : i32 to vector<16xi32>
    %gather3A = tpu.vector_load_idx %arg11[%iota3A, %broadcast_in_dim3A_5] : memref<16x16xf32, #tpu.memory_space<vmem>>[vector<16xi32>, vector<16xi32>], vector<16xf32>,
    %broadcast_in_dim3A_6 = arith.constant 1 : i32
    %broadcast_in_dim3A_7 = vector.broadcast %broadcast_in_dim3A_6 : i32 to vector<16xi32>
    %gather3A_8 = tpu.vector_load_idx %arg11[%iota3A, %broadcast_in_dim3A_7] : memref<16x16xf32, #tpu.memory_space<vmem>>[vector<16xi32>, vector<16xi32>], vector<16xf32>,
    %broadcast_in_dim3A_9 = arith.constant 2 : i32
    %broadcast_in_dim3A_10 = vector.broadcast %broadcast_in_dim3A_9 : i32 to vector<16xi32>
    %gather3A_11 = tpu.vector_load_idx %arg11[%iota3A, %broadcast_in_dim3A_10] : memref<16x16xf32, #tpu.memory_space<vmem>>[vector<16xi32>, vector<16xi32>], vector<16xf32>,
    %broadcast_in_dim3A_12 = arith.constant 3 : i32
    %broadcast_in_dim3A_13 = vector.broadcast %broadcast_in_dim3A_12 : i32 to vector<16xi32>
    %gather3A_14 = tpu.vector_load_idx %arg11[%iota3A, %broadcast_in_dim3A_13] : memref<16x16xf32, #tpu.memory_space<vmem>>[vector<16xi32>, vector<16xi32>], vector<16xf32>,
    %broadcast_in_dim3A_15 = arith.constant 4 : i32
    %broadcast_in_dim3A_16 = vector.broadcast %broadcast_in_dim3A_15 : i32 to vector<16xi32>
    %gather3A_17 = tpu.vector_load_idx %arg11[%iota3A, %broadcast_in_dim3A_16] : memref<16x16xf32, #tpu.memory_space<vmem>>[vector<16xi32>, vector<16xi32>], vector<16xf32>,
    %broadcast_in_dim3A_18 = arith.constant 5 : i32
    %broadcast_in_dim3A_19 = vector.broadcast %broadcast_in_dim3A_18 : i32 to vector<16xi32>
    %gather3A_20 = tpu.vector_load_idx %arg11[%iota3A, %broadcast_in_dim3A_19] : memref<16x16xf32, #tpu.memory_space<vmem>>[vector<16xi32>, vector<16xi32>], vector<16xf32>,
    %broadcast_in_dim3A_21 = arith.constant 6 : i32
    %broadcast_in_dim3A_22 = vector.broadcast %broadcast_in_dim3A_21 : i32 to vector<16xi32>
    %gather3A_23 = tpu.vector_load_idx %arg11[%iota3A, %broadcast_in_dim3A_22] : memref<16x16xf32, #tpu.memory_space<vmem>>[vector<16xi32>, vector<16xi32>], vector<16xf32>,
    %broadcast_in_dim3A_24 = arith.constant 7 : i32
    %broadcast_in_dim3A_25 = vector.broadcast %broadcast_in_dim3A_24 : i32 to vector<16xi32>
    %gather3A_26 = tpu.vector_load_idx %arg11[%iota3A, %broadcast_in_dim3A_25] : memref<16x16xf32, #tpu.memory_space<vmem>>[vector<16xi32>, vector<16xi32>], vector<16xf32>,
    %broadcast_in_dim3A_27 = arith.constant 8 : i32
    %broadcast_in_dim3A_28 = vector.broadcast %broadcast_in_dim3A_27 : i32 to vector<16xi32>
    %gather3A_29 = tpu.vector_load_idx %arg11[%iota3A, %broadcast_in_dim3A_28] : memref<16x16xf32, #tpu.memory_space<vmem>>[vector<16xi32>, vector<16xi32>], vector<16xf32>,
    %broadcast_in_dim3A_30 = arith.constant 9 : i32
    %broadcast_in_dim3A_31 = vector.broadcast %broadcast_in_dim3A_30 : i32 to vector<16xi32>
    %gather3A_32 = tpu.vector_load_idx %arg11[%iota3A, %broadcast_in_dim3A_31] : memref<16x16xf32, #tpu.memory_space<vmem>>[vector<16xi32>, vector<16xi32>], vector<16xf32>,
    %broadcast_in_dim3A_33 = arith.constant 10 : i32
    %broadcast_in_dim3A_34 = vector.broadcast %broadcast_in_dim3A_33 : i32 to vector<16xi32>
    %gather3A_35 = tpu.vector_load_idx %arg11[%iota3A, %broadcast_in_dim3A_34] : memref<16x16xf32, #tpu.memory_space<vmem>>[vector<16xi32>, vector<16xi32>], vector<16xf32>,
    %broadcast_in_dim3A_36 = arith.constant 11 : i32
    %broadcast_in_dim3A_37 = vector.broadcast %broadcast_in_dim3A_36 : i32 to vector<16xi32>
    %gather3A_38 = tpu.vector_load_idx %arg11[%iota3A, %broadcast_in_dim3A_37] : memref<16x16xf32, #tpu.memory_space<vmem>>[vector<16xi32>, vector<16xi32>], vector<16xf32>,
    %broadcast_in_dim3A_39 = arith.constant 12 : i32
    %broadcast_in_dim3A_40 = vector.broadcast %broadcast_in_dim3A_39 : i32 to vector<16xi32>
    %gather3A_41 = tpu.vector_load_idx %arg11[%iota3A, %broadcast_in_dim3A_40] : memref<16x16xf32, #tpu.memory_space<vmem>>[vector<16xi32>, vector<16xi32>], vector<16xf32>,
    %broadcast_in_dim3A_42 = arith.constant 13 : i32
    %broadcast_in_dim3A_43 = vector.broadcast %broadcast_in_dim3A_42 : i32 to vector<16xi32>
    %gather3A_44 = tpu.vector_load_idx %arg11[%iota3A, %broadcast_in_dim3A_43] : memref<16x16xf32, #tpu.memory_space<vmem>>[vector<16xi32>, vector<16xi32>], vector<16xf32>,
    %broadcast_in_dim3A_45 = arith.constant 14 : i32
    %broadcast_in_dim3A_46 = vector.broadcast %broadcast_in_dim3A_45 : i32 to vector<16xi32>
    %gather3A_47 = tpu.vector_load_idx %arg11[%iota3A, %broadcast_in_dim3A_46] : memref<16x16xf32, #tpu.memory_space<vmem>>[vector<16xi32>, vector<16xi32>], vector<16xf32>,
    %broadcast_in_dim3A_48 = arith.constant 15 : i32
    %broadcast_in_dim3A_49 = vector.broadcast %broadcast_in_dim3A_48 : i32 to vector<16xi32>
    %gather3A_50 = tpu.vector_load_idx %arg11[%iota3A, %broadcast_in_dim3A_49] : memref<16x16xf32, #tpu.memory_space<vmem>>[vector<16xi32>, vector<16xi32>], vector<16xf32>,
    %scan3A = arith.constant 0 : i32
    %scan3A_51 = arith.constant 0 : i32
    %scan3A_52 = arith.constant 16 : i32
    %scan3A_53 = arith.addi %scan3A_51, %scan3A_52 : i32
    %scan3A_54 = arith.constant 1 : i32
    scf.for %scan3A_58 = %scan3A_51 to %scan3A_53 step %scan3A_54  : i32 {
      %mul3A_59 = arith.constant 16 : i32
      %mul3A_60 = arith.muli %scan3A_58, %mul3A_59 : i32
      %add3A_61 = vector.broadcast %mul3A_60 : i32 to vector<16xi32>
      %add3A_62 = arith.addi %add3A_61, %iota3A : vector<16xi32>
      %broadcast_in_dim3A_63 = vector.broadcast %scan3A_58 : i32 to vector<16xi32>
      %gather3A_64 = tpu.vector_load_idx %arg10[%broadcast_in_dim3A_63, %iota3A] : memref<16x16xf32, #tpu.memory_space<vmem>>[vector<16xi32>, vector<16xi32>], vector<16xf32>,
      %broadcast_in_dim3A_65 = arith.constant 0xFF800000 : f32
      %broadcast_in_dim3A_66 = vector.broadcast %broadcast_in_dim3A_65 : f32 to vector<16xf32>
      %broadcast_in_dim3A_67 = arith.constant 0xFF800000 : f32
      %broadcast_in_dim3A_68 = vector.broadcast %broadcast_in_dim3A_67 : f32 to vector<16xf32>
      %broadcast_in_dim3A_69 = arith.constant 0 : i32
      %broadcast_in_dim3A_70 = vector.broadcast %broadcast_in_dim3A_69 : i32 to vector<16xi32>
      %broadcast_in_dim3A_71 = arith.constant 0 : i32
      %broadcast_in_dim3A_72 = vector.broadcast %broadcast_in_dim3A_71 : i32 to vector<16xi32>
      %broadcast_in_dim3A_73 = arith.constant 0 : i32
      %broadcast_in_dim3A_74 = vector.broadcast %broadcast_in_dim3A_73 : i32 to vector<16xi32>
      %gather3A_75 = tpu.vector_load_idx %arg7[%add3A_62, %broadcast_in_dim3A_74] : memref<256x16xf32, #tpu.memory_space<vmem>>[vector<16xi32>, vector<16xi32>], vector<16xf32>,
      %mul3A_76 = arith.mulf %gather3A_64, %gather3A : vector<16xf32>
      %add3A_77 = arith.addf %gather3A_75, %mul3A_76 : vector<16xf32>
      %gt3A = arith.cmpf ogt, %add3A_77, %broadcast_in_dim3A_66 : vector<16xf32>
      %gt3A_78 = arith.cmpf ogt, %add3A_77, %broadcast_in_dim3A_68 : vector<16xf32>
      %select_n3A = arith.select %gt3A_78, %add3A_77, %broadcast_in_dim3A_68 : vector<16xi1>, vector<16xf32>
      %select_n3A_79 = arith.select %gt3A, %broadcast_in_dim3A_66, %select_n3A : vector<16xi1>, vector<16xf32>
      %select_n3A_80 = arith.select %gt3A_78, %broadcast_in_dim3A_74, %broadcast_in_dim3A_72 : vector<16xi1>, vector<16xi32>
      %select_n3A_81 = arith.select %gt3A, %broadcast_in_dim3A_70, %select_n3A_80 : vector<16xi1>, vector<16xi32>
      %select_n3A_82 = arith.select %gt3A, %add3A_77, %broadcast_in_dim3A_66 : vector<16xi1>, vector<16xf32>
      %select_n3A_83 = arith.select %gt3A, %broadcast_in_dim3A_74, %broadcast_in_dim3A_70 : vector<16xi1>, vector<16xi32>
      %broadcast_in_dim3A_84 = arith.constant 1 : i32
      %broadcast_in_dim3A_85 = vector.broadcast %broadcast_in_dim3A_84 : i32 to vector<16xi32>
      %gather3A_86 = tpu.vector_load_idx %arg7[%add3A_62, %broadcast_in_dim3A_85] : memref<256x16xf32, #tpu.memory_space<vmem>>[vector<16xi32>, vector<16xi32>], vector<16xf32>,
      %mul3A_87 = arith.mulf %gather3A_64, %gather3A_8 : vector<16xf32>
      %add3A_88 = arith.addf %gather3A_86, %mul3A_87 : vector<16xf32>
      %gt3A_89 = arith.cmpf ogt, %add3A_88, %select_n3A_82 : vector<16xf32>
      %gt3A_90 = arith.cmpf ogt, %add3A_88, %select_n3A_79 : vector<16xf32>
      %select_n3A_91 = arith.select %gt3A_90, %add3A_88, %select_n3A_79 : vector<16xi1>, vector<16xf32>
      %select_n3A_92 = arith.select %gt3A_89, %select_n3A_82, %select_n3A_91 : vector<16xi1>, vector<16xf32>
      %select_n3A_93 = arith.select %gt3A_90, %broadcast_in_dim3A_85, %select_n3A_81 : vector<16xi1>, vector<16xi32>
      %select_n3A_94 = arith.select %gt3A_89, %select_n3A_83, %select_n3A_93 : vector<16xi1>, vector<16xi32>
      %select_n3A_95 = arith.select %gt3A_89, %add3A_88, %select_n3A_82 : vector<16xi1>, vector<16xf32>
      %select_n3A_96 = arith.select %gt3A_89, %broadcast_in_dim3A_85, %select_n3A_83 : vector<16xi1>, vector<16xi32>
      %broadcast_in_dim3A_97 = arith.constant 2 : i32
      %broadcast_in_dim3A_98 = vector.broadcast %broadcast_in_dim3A_97 : i32 to vector<16xi32>
      %gather3A_99 = tpu.vector_load_idx %arg7[%add3A_62, %broadcast_in_dim3A_98] : memref<256x16xf32, #tpu.memory_space<vmem>>[vector<16xi32>, vector<16xi32>], vector<16xf32>,
      %mul3A_100 = arith.mulf %gather3A_64, %gather3A_11 : vector<16xf32>
      %add3A_101 = arith.addf %gather3A_99, %mul3A_100 : vector<16xf32>
      %gt3A_102 = arith.cmpf ogt, %add3A_101, %select_n3A_95 : vector<16xf32>
      %gt3A_103 = arith.cmpf ogt, %add3A_101, %select_n3A_92 : vector<16xf32>
      %select_n3A_104 = arith.select %gt3A_103, %add3A_101, %select_n3A_92 : vector<16xi1>, vector<16xf32>
      %select_n3A_105 = arith.select %gt3A_102, %select_n3A_95, %select_n3A_104 : vector<16xi1>, vector<16xf32>
      %select_n3A_106 = arith.select %gt3A_103, %broadcast_in_dim3A_98, %select_n3A_94 : vector<16xi1>, vector<16xi32>
      %select_n3A_107 = arith.select %gt3A_102, %select_n3A_96, %select_n3A_106 : vector<16xi1>, vector<16xi32>
      %select_n3A_108 = arith.select %gt3A_102, %add3A_101, %select_n3A_95 : vector<16xi1>, vector<16xf32>
      %select_n3A_109 = arith.select %gt3A_102, %broadcast_in_dim3A_98, %select_n3A_96 : vector<16xi1>, vector<16xi32>
      %broadcast_in_dim3A_110 = arith.constant 3 : i32
      %broadcast_in_dim3A_111 = vector.broadcast %broadcast_in_dim3A_110 : i32 to vector<16xi32>
      %gather3A_112 = tpu.vector_load_idx %arg7[%add3A_62, %broadcast_in_dim3A_111] : memref<256x16xf32, #tpu.memory_space<vmem>>[vector<16xi32>, vector<16xi32>], vector<16xf32>,
      %mul3A_113 = arith.mulf %gather3A_64, %gather3A_14 : vector<16xf32>
      %add3A_114 = arith.addf %gather3A_112, %mul3A_113 : vector<16xf32>
      %gt3A_115 = arith.cmpf ogt, %add3A_114, %select_n3A_108 : vector<16xf32>
      %gt3A_116 = arith.cmpf ogt, %add3A_114, %select_n3A_105 : vector<16xf32>
      %select_n3A_117 = arith.select %gt3A_116, %add3A_114, %select_n3A_105 : vector<16xi1>, vector<16xf32>
      %select_n3A_118 = arith.select %gt3A_115, %select_n3A_108, %select_n3A_117 : vector<16xi1>, vector<16xf32>
      %select_n3A_119 = arith.select %gt3A_116, %broadcast_in_dim3A_111, %select_n3A_107 : vector<16xi1>, vector<16xi32>
      %select_n3A_120 = arith.select %gt3A_115, %select_n3A_109, %select_n3A_119 : vector<16xi1>, vector<16xi32>
      %select_n3A_121 = arith.select %gt3A_115, %add3A_114, %select_n3A_108 : vector<16xi1>, vector<16xf32>
      %select_n3A_122 = arith.select %gt3A_115, %broadcast_in_dim3A_111, %select_n3A_109 : vector<16xi1>, vector<16xi32>
      %broadcast_in_dim3A_123 = arith.constant 4 : i32
      %broadcast_in_dim3A_124 = vector.broadcast %broadcast_in_dim3A_123 : i32 to vector<16xi32>
      %gather3A_125 = tpu.vector_load_idx %arg7[%add3A_62, %broadcast_in_dim3A_124] : memref<256x16xf32, #tpu.memory_space<vmem>>[vector<16xi32>, vector<16xi32>], vector<16xf32>,
      %mul3A_126 = arith.mulf %gather3A_64, %gather3A_17 : vector<16xf32>
      %add3A_127 = arith.addf %gather3A_125, %mul3A_126 : vector<16xf32>
      %gt3A_128 = arith.cmpf ogt, %add3A_127, %select_n3A_121 : vector<16xf32>
      %gt3A_129 = arith.cmpf ogt, %add3A_127, %select_n3A_118 : vector<16xf32>
      %select_n3A_130 = arith.select %gt3A_129, %add3A_127, %select_n3A_118 : vector<16xi1>, vector<16xf32>
      %select_n3A_131 = arith.select %gt3A_128, %select_n3A_121, %select_n3A_130 : vector<16xi1>, vector<16xf32>
      %select_n3A_132 = arith.select %gt3A_129, %broadcast_in_dim3A_124, %select_n3A_120 : vector<16xi1>, vector<16xi32>
      %select_n3A_133 = arith.select %gt3A_128, %select_n3A_122, %select_n3A_132 : vector<16xi1>, vector<16xi32>
      %select_n3A_134 = arith.select %gt3A_128, %add3A_127, %select_n3A_121 : vector<16xi1>, vector<16xf32>
      %select_n3A_135 = arith.select %gt3A_128, %broadcast_in_dim3A_124, %select_n3A_122 : vector<16xi1>, vector<16xi32>
      %broadcast_in_dim3A_136 = arith.constant 5 : i32
      %broadcast_in_dim3A_137 = vector.broadcast %broadcast_in_dim3A_136 : i32 to vector<16xi32>
      %gather3A_138 = tpu.vector_load_idx %arg7[%add3A_62, %broadcast_in_dim3A_137] : memref<256x16xf32, #tpu.memory_space<vmem>>[vector<16xi32>, vector<16xi32>], vector<16xf32>,
      %mul3A_139 = arith.mulf %gather3A_64, %gather3A_20 : vector<16xf32>
      %add3A_140 = arith.addf %gather3A_138, %mul3A_139 : vector<16xf32>
      %gt3A_141 = arith.cmpf ogt, %add3A_140, %select_n3A_134 : vector<16xf32>
      %gt3A_142 = arith.cmpf ogt, %add3A_140, %select_n3A_131 : vector<16xf32>
      %select_n3A_143 = arith.select %gt3A_142, %add3A_140, %select_n3A_131 : vector<16xi1>, vector<16xf32>
      %select_n3A_144 = arith.select %gt3A_141, %select_n3A_134, %select_n3A_143 : vector<16xi1>, vector<16xf32>
      %select_n3A_145 = arith.select %gt3A_142, %broadcast_in_dim3A_137, %select_n3A_133 : vector<16xi1>, vector<16xi32>
      %select_n3A_146 = arith.select %gt3A_141, %select_n3A_135, %select_n3A_145 : vector<16xi1>, vector<16xi32>
      %select_n3A_147 = arith.select %gt3A_141, %add3A_140, %select_n3A_134 : vector<16xi1>, vector<16xf32>
      %select_n3A_148 = arith.select %gt3A_141, %broadcast_in_dim3A_137, %select_n3A_135 : vector<16xi1>, vector<16xi32>
      %broadcast_in_dim3A_149 = arith.constant 6 : i32
      %broadcast_in_dim3A_150 = vector.broadcast %broadcast_in_dim3A_149 : i32 to vector<16xi32>
      %gather3A_151 = tpu.vector_load_idx %arg7[%add3A_62, %broadcast_in_dim3A_150] : memref<256x16xf32, #tpu.memory_space<vmem>>[vector<16xi32>, vector<16xi32>], vector<16xf32>,
      %mul3A_152 = arith.mulf %gather3A_64, %gather3A_23 : vector<16xf32>
      %add3A_153 = arith.addf %gather3A_151, %mul3A_152 : vector<16xf32>
      %gt3A_154 = arith.cmpf ogt, %add3A_153, %select_n3A_147 : vector<16xf32>
      %gt3A_155 = arith.cmpf ogt, %add3A_153, %select_n3A_144 : vector<16xf32>
      %select_n3A_156 = arith.select %gt3A_155, %add3A_153, %select_n3A_144 : vector<16xi1>, vector<16xf32>
      %select_n3A_157 = arith.select %gt3A_154, %select_n3A_147, %select_n3A_156 : vector<16xi1>, vector<16xf32>
      %select_n3A_158 = arith.select %gt3A_155, %broadcast_in_dim3A_150, %select_n3A_146 : vector<16xi1>, vector<16xi32>
      %select_n3A_159 = arith.select %gt3A_154, %select_n3A_148, %select_n3A_158 : vector<16xi1>, vector<16xi32>
      %select_n3A_160 = arith.select %gt3A_154, %add3A_153, %select_n3A_147 : vector<16xi1>, vector<16xf32>
      %select_n3A_161 = arith.select %gt3A_154, %broadcast_in_dim3A_150, %select_n3A_148 : vector<16xi1>, vector<16xi32>
      %broadcast_in_dim3A_162 = arith.constant 7 : i32
      %broadcast_in_dim3A_163 = vector.broadcast %broadcast_in_dim3A_162 : i32 to vector<16xi32>
      %gather3A_164 = tpu.vector_load_idx %arg7[%add3A_62, %broadcast_in_dim3A_163] : memref<256x16xf32, #tpu.memory_space<vmem>>[vector<16xi32>, vector<16xi32>], vector<16xf32>,
      %mul3A_165 = arith.mulf %gather3A_64, %gather3A_26 : vector<16xf32>
      %add3A_166 = arith.addf %gather3A_164, %mul3A_165 : vector<16xf32>
      %gt3A_167 = arith.cmpf ogt, %add3A_166, %select_n3A_160 : vector<16xf32>
      %gt3A_168 = arith.cmpf ogt, %add3A_166, %select_n3A_157 : vector<16xf32>
      %select_n3A_169 = arith.select %gt3A_168, %add3A_166, %select_n3A_157 : vector<16xi1>, vector<16xf32>
      %select_n3A_170 = arith.select %gt3A_167, %select_n3A_160, %select_n3A_169 : vector<16xi1>, vector<16xf32>
      %select_n3A_171 = arith.select %gt3A_168, %broadcast_in_dim3A_163, %select_n3A_159 : vector<16xi1>, vector<16xi32>
      %select_n3A_172 = arith.select %gt3A_167, %select_n3A_161, %select_n3A_171 : vector<16xi1>, vector<16xi32>
      %select_n3A_173 = arith.select %gt3A_167, %add3A_166, %select_n3A_160 : vector<16xi1>, vector<16xf32>
      %select_n3A_174 = arith.select %gt3A_167, %broadcast_in_dim3A_163, %select_n3A_161 : vector<16xi1>, vector<16xi32>
      %broadcast_in_dim3A_175 = arith.constant 8 : i32
      %broadcast_in_dim3A_176 = vector.broadcast %broadcast_in_dim3A_175 : i32 to vector<16xi32>
      %gather3A_177 = tpu.vector_load_idx %arg7[%add3A_62, %broadcast_in_dim3A_176] : memref<256x16xf32, #tpu.memory_space<vmem>>[vector<16xi32>, vector<16xi32>], vector<16xf32>,
      %mul3A_178 = arith.mulf %gather3A_64, %gather3A_29 : vector<16xf32>
      %add3A_179 = arith.addf %gather3A_177, %mul3A_178 : vector<16xf32>
      %gt3A_180 = arith.cmpf ogt, %add3A_179, %select_n3A_173 : vector<16xf32>
      %gt3A_181 = arith.cmpf ogt, %add3A_179, %select_n3A_170 : vector<16xf32>
      %select_n3A_182 = arith.select %gt3A_181, %add3A_179, %select_n3A_170 : vector<16xi1>, vector<16xf32>
      %select_n3A_183 = arith.select %gt3A_180, %select_n3A_173, %select_n3A_182 : vector<16xi1>, vector<16xf32>
      %select_n3A_184 = arith.select %gt3A_181, %broadcast_in_dim3A_176, %select_n3A_172 : vector<16xi1>, vector<16xi32>
      %select_n3A_185 = arith.select %gt3A_180, %select_n3A_174, %select_n3A_184 : vector<16xi1>, vector<16xi32>
      %select_n3A_186 = arith.select %gt3A_180, %add3A_179, %select_n3A_173 : vector<16xi1>, vector<16xf32>
      %select_n3A_187 = arith.select %gt3A_180, %broadcast_in_dim3A_176, %select_n3A_174 : vector<16xi1>, vector<16xi32>
      %broadcast_in_dim3A_188 = arith.constant 9 : i32
      %broadcast_in_dim3A_189 = vector.broadcast %broadcast_in_dim3A_188 : i32 to vector<16xi32>
      %gather3A_190 = tpu.vector_load_idx %arg7[%add3A_62, %broadcast_in_dim3A_189] : memref<256x16xf32, #tpu.memory_space<vmem>>[vector<16xi32>, vector<16xi32>], vector<16xf32>,
      %mul3A_191 = arith.mulf %gather3A_64, %gather3A_32 : vector<16xf32>
      %add3A_192 = arith.addf %gather3A_190, %mul3A_191 : vector<16xf32>
      %gt3A_193 = arith.cmpf ogt, %add3A_192, %select_n3A_186 : vector<16xf32>
      %gt3A_194 = arith.cmpf ogt, %add3A_192, %select_n3A_183 : vector<16xf32>
      %select_n3A_195 = arith.select %gt3A_194, %add3A_192, %select_n3A_183 : vector<16xi1>, vector<16xf32>
      %select_n3A_196 = arith.select %gt3A_193, %select_n3A_186, %select_n3A_195 : vector<16xi1>, vector<16xf32>
      %select_n3A_197 = arith.select %gt3A_194, %broadcast_in_dim3A_189, %select_n3A_185 : vector<16xi1>, vector<16xi32>
      %select_n3A_198 = arith.select %gt3A_193, %select_n3A_187, %select_n3A_197 : vector<16xi1>, vector<16xi32>
      %select_n3A_199 = arith.select %gt3A_193, %add3A_192, %select_n3A_186 : vector<16xi1>, vector<16xf32>
      %select_n3A_200 = arith.select %gt3A_193, %broadcast_in_dim3A_189, %select_n3A_187 : vector<16xi1>, vector<16xi32>
      %broadcast_in_dim3A_201 = arith.constant 10 : i32
      %broadcast_in_dim3A_202 = vector.broadcast %broadcast_in_dim3A_201 : i32 to vector<16xi32>
      %gather3A_203 = tpu.vector_load_idx %arg7[%add3A_62, %broadcast_in_dim3A_202] : memref<256x16xf32, #tpu.memory_space<vmem>>[vector<16xi32>, vector<16xi32>], vector<16xf32>,
      %mul3A_204 = arith.mulf %gather3A_64, %gather3A_35 : vector<16xf32>
      %add3A_205 = arith.addf %gather3A_203, %mul3A_204 : vector<16xf32>
      %gt3A_206 = arith.cmpf ogt, %add3A_205, %select_n3A_199 : vector<16xf32>
      %gt3A_207 = arith.cmpf ogt, %add3A_205, %select_n3A_196 : vector<16xf32>
      %select_n3A_208 = arith.select %gt3A_207, %add3A_205, %select_n3A_196 : vector<16xi1>, vector<16xf32>
      %select_n3A_209 = arith.select %gt3A_206, %select_n3A_199, %select_n3A_208 : vector<16xi1>, vector<16xf32>
      %select_n3A_210 = arith.select %gt3A_207, %broadcast_in_dim3A_202, %select_n3A_198 : vector<16xi1>, vector<16xi32>
      %select_n3A_211 = arith.select %gt3A_206, %select_n3A_200, %select_n3A_210 : vector<16xi1>, vector<16xi32>
      %select_n3A_212 = arith.select %gt3A_206, %add3A_205, %select_n3A_199 : vector<16xi1>, vector<16xf32>
      %select_n3A_213 = arith.select %gt3A_206, %broadcast_in_dim3A_202, %select_n3A_200 : vector<16xi1>, vector<16xi32>
      %broadcast_in_dim3A_214 = arith.constant 11 : i32
      %broadcast_in_dim3A_215 = vector.broadcast %broadcast_in_dim3A_214 : i32 to vector<16xi32>
      %gather3A_216 = tpu.vector_load_idx %arg7[%add3A_62, %broadcast_in_dim3A_215] : memref<256x16xf32, #tpu.memory_space<vmem>>[vector<16xi32>, vector<16xi32>], vector<16xf32>,
      %mul3A_217 = arith.mulf %gather3A_64, %gather3A_38 : vector<16xf32>
      %add3A_218 = arith.addf %gather3A_216, %mul3A_217 : vector<16xf32>
      %gt3A_219 = arith.cmpf ogt, %add3A_218, %select_n3A_212 : vector<16xf32>
      %gt3A_220 = arith.cmpf ogt, %add3A_218, %select_n3A_209 : vector<16xf32>
      %select_n3A_221 = arith.select %gt3A_220, %add3A_218, %select_n3A_209 : vector<16xi1>, vector<16xf32>
      %select_n3A_222 = arith.select %gt3A_219, %select_n3A_212, %select_n3A_221 : vector<16xi1>, vector<16xf32>
      %select_n3A_223 = arith.select %gt3A_220, %broadcast_in_dim3A_215, %select_n3A_211 : vector<16xi1>, vector<16xi32>
      %select_n3A_224 = arith.select %gt3A_219, %select_n3A_213, %select_n3A_223 : vector<16xi1>, vector<16xi32>
      %select_n3A_225 = arith.select %gt3A_219, %add3A_218, %select_n3A_212 : vector<16xi1>, vector<16xf32>
      %select_n3A_226 = arith.select %gt3A_219, %broadcast_in_dim3A_215, %select_n3A_213 : vector<16xi1>, vector<16xi32>
      %broadcast_in_dim3A_227 = arith.constant 12 : i32
      %broadcast_in_dim3A_228 = vector.broadcast %broadcast_in_dim3A_227 : i32 to vector<16xi32>
      %gather3A_229 = tpu.vector_load_idx %arg7[%add3A_62, %broadcast_in_dim3A_228] : memref<256x16xf32, #tpu.memory_space<vmem>>[vector<16xi32>, vector<16xi32>], vector<16xf32>,
      %mul3A_230 = arith.mulf %gather3A_64, %gather3A_41 : vector<16xf32>
      %add3A_231 = arith.addf %gather3A_229, %mul3A_230 : vector<16xf32>
      %gt3A_232 = arith.cmpf ogt, %add3A_231, %select_n3A_225 : vector<16xf32>
      %gt3A_233 = arith.cmpf ogt, %add3A_231, %select_n3A_222 : vector<16xf32>
      %select_n3A_234 = arith.select %gt3A_233, %add3A_231, %select_n3A_222 : vector<16xi1>, vector<16xf32>
      %select_n3A_235 = arith.select %gt3A_232, %select_n3A_225, %select_n3A_234 : vector<16xi1>, vector<16xf32>
      %select_n3A_236 = arith.select %gt3A_233, %broadcast_in_dim3A_228, %select_n3A_224 : vector<16xi1>, vector<16xi32>
      %select_n3A_237 = arith.select %gt3A_232, %select_n3A_226, %select_n3A_236 : vector<16xi1>, vector<16xi32>
      %select_n3A_238 = arith.select %gt3A_232, %add3A_231, %select_n3A_225 : vector<16xi1>, vector<16xf32>
      %select_n3A_239 = arith.select %gt3A_232, %broadcast_in_dim3A_228, %select_n3A_226 : vector<16xi1>, vector<16xi32>
      %broadcast_in_dim3A_240 = arith.constant 13 : i32
      %broadcast_in_dim3A_241 = vector.broadcast %broadcast_in_dim3A_240 : i32 to vector<16xi32>
      %gather3A_242 = tpu.vector_load_idx %arg7[%add3A_62, %broadcast_in_dim3A_241] : memref<256x16xf32, #tpu.memory_space<vmem>>[vector<16xi32>, vector<16xi32>], vector<16xf32>,
      %mul3A_243 = arith.mulf %gather3A_64, %gather3A_44 : vector<16xf32>
      %add3A_244 = arith.addf %gather3A_242, %mul3A_243 : vector<16xf32>
      %gt3A_245 = arith.cmpf ogt, %add3A_244, %select_n3A_238 : vector<16xf32>
      %gt3A_246 = arith.cmpf ogt, %add3A_244, %select_n3A_235 : vector<16xf32>
      %select_n3A_247 = arith.select %gt3A_246, %add3A_244, %select_n3A_235 : vector<16xi1>, vector<16xf32>
      %select_n3A_248 = arith.select %gt3A_245, %select_n3A_238, %select_n3A_247 : vector<16xi1>, vector<16xf32>
      %select_n3A_249 = arith.select %gt3A_246, %broadcast_in_dim3A_241, %select_n3A_237 : vector<16xi1>, vector<16xi32>
      %select_n3A_250 = arith.select %gt3A_245, %select_n3A_239, %select_n3A_249 : vector<16xi1>, vector<16xi32>
      %select_n3A_251 = arith.select %gt3A_245, %add3A_244, %select_n3A_238 : vector<16xi1>, vector<16xf32>
      %select_n3A_252 = arith.select %gt3A_245, %broadcast_in_dim3A_241, %select_n3A_239 : vector<16xi1>, vector<16xi32>
      %broadcast_in_dim3A_253 = arith.constant 14 : i32
      %broadcast_in_dim3A_254 = vector.broadcast %broadcast_in_dim3A_253 : i32 to vector<16xi32>
      %gather3A_255 = tpu.vector_load_idx %arg7[%add3A_62, %broadcast_in_dim3A_254] : memref<256x16xf32, #tpu.memory_space<vmem>>[vector<16xi32>, vector<16xi32>], vector<16xf32>,
      %mul3A_256 = arith.mulf %gather3A_64, %gather3A_47 : vector<16xf32>
      %add3A_257 = arith.addf %gather3A_255, %mul3A_256 : vector<16xf32>
      %gt3A_258 = arith.cmpf ogt, %add3A_257, %select_n3A_251 : vector<16xf32>
      %gt3A_259 = arith.cmpf ogt, %add3A_257, %select_n3A_248 : vector<16xf32>
      %select_n3A_260 = arith.select %gt3A_259, %add3A_257, %select_n3A_248 : vector<16xi1>, vector<16xf32>
      %select_n3A_261 = arith.select %gt3A_258, %select_n3A_251, %select_n3A_260 : vector<16xi1>, vector<16xf32>
      %select_n3A_262 = arith.select %gt3A_259, %broadcast_in_dim3A_254, %select_n3A_250 : vector<16xi1>, vector<16xi32>
      %select_n3A_263 = arith.select %gt3A_258, %select_n3A_252, %select_n3A_262 : vector<16xi1>, vector<16xi32>
      %select_n3A_264 = arith.select %gt3A_258, %add3A_257, %select_n3A_251 : vector<16xi1>, vector<16xf32>
      %select_n3A_265 = arith.select %gt3A_258, %broadcast_in_dim3A_254, %select_n3A_252 : vector<16xi1>, vector<16xi32>
      %broadcast_in_dim3A_266 = arith.constant 15 : i32
      %broadcast_in_dim3A_267 = vector.broadcast %broadcast_in_dim3A_266 : i32 to vector<16xi32>
      %gather3A_268 = tpu.vector_load_idx %arg7[%add3A_62, %broadcast_in_dim3A_267] : memref<256x16xf32, #tpu.memory_space<vmem>>[vector<16xi32>, vector<16xi32>], vector<16xf32>,
      %mul3A_269 = arith.mulf %gather3A_64, %gather3A_50 : vector<16xf32>
      %add3A_270 = arith.addf %gather3A_268, %mul3A_269 : vector<16xf32>
      %gt3A_271 = arith.cmpf ogt, %add3A_270, %select_n3A_264 : vector<16xf32>
      %gt3A_272 = arith.cmpf ogt, %add3A_270, %select_n3A_261 : vector<16xf32>
      %select_n3A_273 = arith.select %gt3A_272, %add3A_270, %select_n3A_261 : vector<16xi1>, vector<16xf32>
      %select_n3A_274 = arith.select %gt3A_271, %select_n3A_264, %select_n3A_273 : vector<16xi1>, vector<16xf32>
      %select_n3A_275 = arith.select %gt3A_272, %broadcast_in_dim3A_267, %select_n3A_263 : vector<16xi1>, vector<16xi32>
      %select_n3A_276 = arith.select %gt3A_271, %select_n3A_265, %select_n3A_275 : vector<16xi1>, vector<16xi32>
      %select_n3A_277 = arith.select %gt3A_271, %add3A_270, %select_n3A_264 : vector<16xi1>, vector<16xf32>
      %select_n3A_278 = arith.select %gt3A_271, %broadcast_in_dim3A_267, %select_n3A_265 : vector<16xi1>, vector<16xi32>
      %sub3A = arith.subf %select_n3A_274, %select_n3A_277 : vector<16xf32>
      %exp3A = math.exp %sub3A : vector<16xf32>
      %add3A_279 = arith.constant 1.000000e+00 : f32
      %add3A_280 = vector.broadcast %add3A_279 : f32 to vector<16xf32>
      %add3A_281 = arith.addf %add3A_280, %exp3A : vector<16xf32>
      %div3A = arith.constant 1.000000e+00 : f32
      %div3A_282 = vector.broadcast %div3A : f32 to vector<16xf32>
      %div3A_283 = arith.divf %div3A_282, %add3A_281 : vector<16xf32>
      %div3A_284 = arith.divf %exp3A, %add3A_281 : vector<16xf32>
      %broadcast_in_dim3A_285 = arith.constant 0.000000e+00 : f32
      %broadcast_in_dim3A_286 = vector.broadcast %broadcast_in_dim3A_285 : f32 to vector<16xf32>
      %broadcast_in_dim3A_287 = arith.constant 0 : i32
      %broadcast_in_dim3A_288 = vector.broadcast %broadcast_in_dim3A_287 : i32 to vector<16xi32>
      %eq3A = arith.cmpi eq, %select_n3A_278, %broadcast_in_dim3A_288 : vector<16xi32>
      %select_n3A_289 = arith.select %eq3A, %div3A_283, %broadcast_in_dim3A_286 : vector<16xi1>, vector<16xf32>
      %eq3A_290 = arith.cmpi eq, %select_n3A_276, %broadcast_in_dim3A_288 : vector<16xi32>
      %select_n3A_291 = arith.select %eq3A_290, %div3A_284, %broadcast_in_dim3A_286 : vector<16xi1>, vector<16xf32>
      %add3A_292 = arith.addf %select_n3A_289, %select_n3A_291 : vector<16xf32>
      %mul3A_293 = arith.constant 16 : i32
      %mul3A_294 = arith.muli %scan3A_58, %mul3A_293 : i32
      %swap3A = arith.constant 0 : i32
      %swap3A_295 = arith.index_cast %swap3A : i32 to index
      %swap3A_296 = arith.index_cast %mul3A_294 : i32 to index
      %swap3A_297 = tpu.vector_load %arg8[%swap3A_295, %swap3A_296] {strides = array<i32>} : memref<16x256xf32, #tpu.memory_space<vmem>>, vector<16xf32>,
      tpu.vector_store %arg8[%swap3A_295, %swap3A_296], %add3A_292 {strides = array<i32>} : memref<16x256xf32, #tpu.memory_space<vmem>>, vector<16xf32>,
      %broadcast_in_dim3A_298 = arith.constant 1 : i32
      %broadcast_in_dim3A_299 = vector.broadcast %broadcast_in_dim3A_298 : i32 to vector<16xi32>
      %eq3A_300 = arith.cmpi eq, %select_n3A_278, %broadcast_in_dim3A_299 : vector<16xi32>
      %select_n3A_301 = arith.select %eq3A_300, %div3A_283, %broadcast_in_dim3A_286 : vector<16xi1>, vector<16xf32>
      %eq3A_302 = arith.cmpi eq, %select_n3A_276, %broadcast_in_dim3A_299 : vector<16xi32>
      %select_n3A_303 = arith.select %eq3A_302, %div3A_284, %broadcast_in_dim3A_286 : vector<16xi1>, vector<16xf32>
      %add3A_304 = arith.addf %select_n3A_301, %select_n3A_303 : vector<16xf32>
      %mul3A_305 = arith.constant 16 : i32
      %mul3A_306 = arith.muli %scan3A_58, %mul3A_305 : i32
      %swap3A_307 = arith.constant 1 : i32
      %swap3A_308 = arith.index_cast %swap3A_307 : i32 to index
      %swap3A_309 = arith.index_cast %mul3A_306 : i32 to index
      %swap3A_310 = tpu.vector_load %arg8[%swap3A_308, %swap3A_309] {strides = array<i32>} : memref<16x256xf32, #tpu.memory_space<vmem>>, vector<16xf32>,
      tpu.vector_store %arg8[%swap3A_308, %swap3A_309], %add3A_304 {strides = array<i32>} : memref<16x256xf32, #tpu.memory_space<vmem>>, vector<16xf32>,
      %broadcast_in_dim3A_311 = arith.constant 2 : i32
      %broadcast_in_dim3A_312 = vector.broadcast %broadcast_in_dim3A_311 : i32 to vector<16xi32>
      %eq3A_313 = arith.cmpi eq, %select_n3A_278, %broadcast_in_dim3A_312 : vector<16xi32>
      %select_n3A_314 = arith.select %eq3A_313, %div3A_283, %broadcast_in_dim3A_286 : vector<16xi1>, vector<16xf32>
      %eq3A_315 = arith.cmpi eq, %select_n3A_276, %broadcast_in_dim3A_312 : vector<16xi32>
      %select_n3A_316 = arith.select %eq3A_315, %div3A_284, %broadcast_in_dim3A_286 : vector<16xi1>, vector<16xf32>
      %add3A_317 = arith.addf %select_n3A_314, %select_n3A_316 : vector<16xf32>
      %mul3A_318 = arith.constant 16 : i32
      %mul3A_319 = arith.muli %scan3A_58, %mul3A_318 : i32
      %swap3A_320 = arith.constant 2 : i32
      %swap3A_321 = arith.index_cast %swap3A_320 : i32 to index
      %swap3A_322 = arith.index_cast %mul3A_319 : i32 to index
      %swap3A_323 = tpu.vector_load %arg8[%swap3A_321, %swap3A_322] {strides = array<i32>} : memref<16x256xf32, #tpu.memory_space<vmem>>, vector<16xf32>,
      tpu.vector_store %arg8[%swap3A_321, %swap3A_322], %add3A_317 {strides = array<i32>} : memref<16x256xf32, #tpu.memory_space<vmem>>, vector<16xf32>,
      %broadcast_in_dim3A_324 = arith.constant 3 : i32
      %broadcast_in_dim3A_325 = vector.broadcast %broadcast_in_dim3A_324 : i32 to vector<16xi32>
      %eq3A_326 = arith.cmpi eq, %select_n3A_278, %broadcast_in_dim3A_325 : vector<16xi32>
      %select_n3A_327 = arith.select %eq3A_326, %div3A_283, %broadcast_in_dim3A_286 : vector<16xi1>, vector<16xf32>
      %eq3A_328 = arith.cmpi eq, %select_n3A_276, %broadcast_in_dim3A_325 : vector<16xi32>
      %select_n3A_329 = arith.select %eq3A_328, %div3A_284, %broadcast_in_dim3A_286 : vector<16xi1>, vector<16xf32>
      %add3A_330 = arith.addf %select_n3A_327, %select_n3A_329 : vector<16xf32>
      %mul3A_331 = arith.constant 16 : i32
      %mul3A_332 = arith.muli %scan3A_58, %mul3A_331 : i32
      %swap3A_333 = arith.constant 3 : i32
      %swap3A_334 = arith.index_cast %swap3A_333 : i32 to index
      %swap3A_335 = arith.index_cast %mul3A_332 : i32 to index
      %swap3A_336 = tpu.vector_load %arg8[%swap3A_334, %swap3A_335] {strides = array<i32>} : memref<16x256xf32, #tpu.memory_space<vmem>>, vector<16xf32>,
      tpu.vector_store %arg8[%swap3A_334, %swap3A_335], %add3A_330 {strides = array<i32>} : memref<16x256xf32, #tpu.memory_space<vmem>>, vector<16xf32>,
      %broadcast_in_dim3A_337 = arith.constant 4 : i32
      %broadcast_in_dim3A_338 = vector.broadcast %broadcast_in_dim3A_337 : i32 to vector<16xi32>
      %eq3A_339 = arith.cmpi eq, %select_n3A_278, %broadcast_in_dim3A_338 : vector<16xi32>
      %select_n3A_340 = arith.select %eq3A_339, %div3A_283, %broadcast_in_dim3A_286 : vector<16xi1>, vector<16xf32>
      %eq3A_341 = arith.cmpi eq, %select_n3A_276, %broadcast_in_dim3A_338 : vector<16xi32>
      %select_n3A_342 = arith.select %eq3A_341, %div3A_284, %broadcast_in_dim3A_286 : vector<16xi1>, vector<16xf32>
      %add3A_343 = arith.addf %select_n3A_340, %select_n3A_342 : vector<16xf32>
      %mul3A_344 = arith.constant 16 : i32
      %mul3A_345 = arith.muli %scan3A_58, %mul3A_344 : i32
      %swap3A_346 = arith.constant 4 : i32
      %swap3A_347 = arith.index_cast %swap3A_346 : i32 to index
      %swap3A_348 = arith.index_cast %mul3A_345 : i32 to index
      %swap3A_349 = tpu.vector_load %arg8[%swap3A_347, %swap3A_348] {strides = array<i32>} : memref<16x256xf32, #tpu.memory_space<vmem>>, vector<16xf32>,
      tpu.vector_store %arg8[%swap3A_347, %swap3A_348], %add3A_343 {strides = array<i32>} : memref<16x256xf32, #tpu.memory_space<vmem>>, vector<16xf32>,
      %broadcast_in_dim3A_350 = arith.constant 5 : i32
      %broadcast_in_dim3A_351 = vector.broadcast %broadcast_in_dim3A_350 : i32 to vector<16xi32>
      %eq3A_352 = arith.cmpi eq, %select_n3A_278, %broadcast_in_dim3A_351 : vector<16xi32>
      %select_n3A_353 = arith.select %eq3A_352, %div3A_283, %broadcast_in_dim3A_286 : vector<16xi1>, vector<16xf32>
      %eq3A_354 = arith.cmpi eq, %select_n3A_276, %broadcast_in_dim3A_351 : vector<16xi32>
      %select_n3A_355 = arith.select %eq3A_354, %div3A_284, %broadcast_in_dim3A_286 : vector<16xi1>, vector<16xf32>
      %add3A_356 = arith.addf %select_n3A_353, %select_n3A_355 : vector<16xf32>
      %mul3A_357 = arith.constant 16 : i32
      %mul3A_358 = arith.muli %scan3A_58, %mul3A_357 : i32
      %swap3A_359 = arith.constant 5 : i32
      %swap3A_360 = arith.index_cast %swap3A_359 : i32 to index
      %swap3A_361 = arith.index_cast %mul3A_358 : i32 to index
      %swap3A_362 = tpu.vector_load %arg8[%swap3A_360, %swap3A_361] {strides = array<i32>} : memref<16x256xf32, #tpu.memory_space<vmem>>, vector<16xf32>,
      tpu.vector_store %arg8[%swap3A_360, %swap3A_361], %add3A_356 {strides = array<i32>} : memref<16x256xf32, #tpu.memory_space<vmem>>, vector<16xf32>,
      %broadcast_in_dim3A_363 = arith.constant 6 : i32
      %broadcast_in_dim3A_364 = vector.broadcast %broadcast_in_dim3A_363 : i32 to vector<16xi32>
      %eq3A_365 = arith.cmpi eq, %select_n3A_278, %broadcast_in_dim3A_364 : vector<16xi32>
      %select_n3A_366 = arith.select %eq3A_365, %div3A_283, %broadcast_in_dim3A_286 : vector<16xi1>, vector<16xf32>
      %eq3A_367 = arith.cmpi eq, %select_n3A_276, %broadcast_in_dim3A_364 : vector<16xi32>
      %select_n3A_368 = arith.select %eq3A_367, %div3A_284, %broadcast_in_dim3A_286 : vector<16xi1>, vector<16xf32>
      %add3A_369 = arith.addf %select_n3A_366, %select_n3A_368 : vector<16xf32>
      %mul3A_370 = arith.constant 16 : i32
      %mul3A_371 = arith.muli %scan3A_58, %mul3A_370 : i32
      %swap3A_372 = arith.constant 6 : i32
      %swap3A_373 = arith.index_cast %swap3A_372 : i32 to index
      %swap3A_374 = arith.index_cast %mul3A_371 : i32 to index
      %swap3A_375 = tpu.vector_load %arg8[%swap3A_373, %swap3A_374] {strides = array<i32>} : memref<16x256xf32, #tpu.memory_space<vmem>>, vector<16xf32>,
      tpu.vector_store %arg8[%swap3A_373, %swap3A_374], %add3A_369 {strides = array<i32>} : memref<16x256xf32, #tpu.memory_space<vmem>>, vector<16xf32>,
      %broadcast_in_dim3A_376 = arith.constant 7 : i32
      %broadcast_in_dim3A_377 = vector.broadcast %broadcast_in_dim3A_376 : i32 to vector<16xi32>
      %eq3A_378 = arith.cmpi eq, %select_n3A_278, %broadcast_in_dim3A_377 : vector<16xi32>
      %select_n3A_379 = arith.select %eq3A_378, %div3A_283, %broadcast_in_dim3A_286 : vector<16xi1>, vector<16xf32>
      %eq3A_380 = arith.cmpi eq, %select_n3A_276, %broadcast_in_dim3A_377 : vector<16xi32>
      %select_n3A_381 = arith.select %eq3A_380, %div3A_284, %broadcast_in_dim3A_286 : vector<16xi1>, vector<16xf32>
      %add3A_382 = arith.addf %select_n3A_379, %select_n3A_381 : vector<16xf32>
      %mul3A_383 = arith.constant 16 : i32
      %mul3A_384 = arith.muli %scan3A_58, %mul3A_383 : i32
      %swap3A_385 = arith.constant 7 : i32
      %swap3A_386 = arith.index_cast %swap3A_385 : i32 to index
      %swap3A_387 = arith.index_cast %mul3A_384 : i32 to index
      %swap3A_388 = tpu.vector_load %arg8[%swap3A_386, %swap3A_387] {strides = array<i32>} : memref<16x256xf32, #tpu.memory_space<vmem>>, vector<16xf32>,
      tpu.vector_store %arg8[%swap3A_386, %swap3A_387], %add3A_382 {strides = array<i32>} : memref<16x256xf32, #tpu.memory_space<vmem>>, vector<16xf32>,
      %broadcast_in_dim3A_389 = arith.constant 8 : i32
      %broadcast_in_dim3A_390 = vector.broadcast %broadcast_in_dim3A_389 : i32 to vector<16xi32>
      %eq3A_391 = arith.cmpi eq, %select_n3A_278, %broadcast_in_dim3A_390 : vector<16xi32>
      %select_n3A_392 = arith.select %eq3A_391, %div3A_283, %broadcast_in_dim3A_286 : vector<16xi1>, vector<16xf32>
      %eq3A_393 = arith.cmpi eq, %select_n3A_276, %broadcast_in_dim3A_390 : vector<16xi32>
      %select_n3A_394 = arith.select %eq3A_393, %div3A_284, %broadcast_in_dim3A_286 : vector<16xi1>, vector<16xf32>
      %add3A_395 = arith.addf %select_n3A_392, %select_n3A_394 : vector<16xf32>
      %mul3A_396 = arith.constant 16 : i32
      %mul3A_397 = arith.muli %scan3A_58, %mul3A_396 : i32
      %swap3A_398 = arith.constant 8 : i32
      %swap3A_399 = arith.index_cast %swap3A_398 : i32 to index
      %swap3A_400 = arith.index_cast %mul3A_397 : i32 to index
      %swap3A_401 = tpu.vector_load %arg8[%swap3A_399, %swap3A_400] {strides = array<i32>} : memref<16x256xf32, #tpu.memory_space<vmem>>, vector<16xf32>,
      tpu.vector_store %arg8[%swap3A_399, %swap3A_400], %add3A_395 {strides = array<i32>} : memref<16x256xf32, #tpu.memory_space<vmem>>, vector<16xf32>,
      %broadcast_in_dim3A_402 = arith.constant 9 : i32
      %broadcast_in_dim3A_403 = vector.broadcast %broadcast_in_dim3A_402 : i32 to vector<16xi32>
      %eq3A_404 = arith.cmpi eq, %select_n3A_278, %broadcast_in_dim3A_403 : vector<16xi32>
      %select_n3A_405 = arith.select %eq3A_404, %div3A_283, %broadcast_in_dim3A_286 : vector<16xi1>, vector<16xf32>
      %eq3A_406 = arith.cmpi eq, %select_n3A_276, %broadcast_in_dim3A_403 : vector<16xi32>
      %select_n3A_407 = arith.select %eq3A_406, %div3A_284, %broadcast_in_dim3A_286 : vector<16xi1>, vector<16xf32>
      %add3A_408 = arith.addf %select_n3A_405, %select_n3A_407 : vector<16xf32>
      %mul3A_409 = arith.constant 16 : i32
      %mul3A_410 = arith.muli %scan3A_58, %mul3A_409 : i32
      %swap3A_411 = arith.constant 9 : i32
      %swap3A_412 = arith.index_cast %swap3A_411 : i32 to index
      %swap3A_413 = arith.index_cast %mul3A_410 : i32 to index
      %swap3A_414 = tpu.vector_load %arg8[%swap3A_412, %swap3A_413] {strides = array<i32>} : memref<16x256xf32, #tpu.memory_space<vmem>>, vector<16xf32>,
      tpu.vector_store %arg8[%swap3A_412, %swap3A_413], %add3A_408 {strides = array<i32>} : memref<16x256xf32, #tpu.memory_space<vmem>>, vector<16xf32>,
      %broadcast_in_dim3A_415 = arith.constant 10 : i32
      %broadcast_in_dim3A_416 = vector.broadcast %broadcast_in_dim3A_415 : i32 to vector<16xi32>
      %eq3A_417 = arith.cmpi eq, %select_n3A_278, %broadcast_in_dim3A_416 : vector<16xi32>
      %select_n3A_418 = arith.select %eq3A_417, %div3A_283, %broadcast_in_dim3A_286 : vector<16xi1>, vector<16xf32>
      %eq3A_419 = arith.cmpi eq, %select_n3A_276, %broadcast_in_dim3A_416 : vector<16xi32>
      %select_n3A_420 = arith.select %eq3A_419, %div3A_284, %broadcast_in_dim3A_286 : vector<16xi1>, vector<16xf32>
      %add3A_421 = arith.addf %select_n3A_418, %select_n3A_420 : vector<16xf32>
      %mul3A_422 = arith.constant 16 : i32
      %mul3A_423 = arith.muli %scan3A_58, %mul3A_422 : i32
      %swap3A_424 = arith.constant 10 : i32
      %swap3A_425 = arith.index_cast %swap3A_424 : i32 to index
      %swap3A_426 = arith.index_cast %mul3A_423 : i32 to index
      %swap3A_427 = tpu.vector_load %arg8[%swap3A_425, %swap3A_426] {strides = array<i32>} : memref<16x256xf32, #tpu.memory_space<vmem>>, vector<16xf32>,
      tpu.vector_store %arg8[%swap3A_425, %swap3A_426], %add3A_421 {strides = array<i32>} : memref<16x256xf32, #tpu.memory_space<vmem>>, vector<16xf32>,
      %broadcast_in_dim3A_428 = arith.constant 11 : i32
      %broadcast_in_dim3A_429 = vector.broadcast %broadcast_in_dim3A_428 : i32 to vector<16xi32>
      %eq3A_430 = arith.cmpi eq, %select_n3A_278, %broadcast_in_dim3A_429 : vector<16xi32>
      %select_n3A_431 = arith.select %eq3A_430, %div3A_283, %broadcast_in_dim3A_286 : vector<16xi1>, vector<16xf32>
      %eq3A_432 = arith.cmpi eq, %select_n3A_276, %broadcast_in_dim3A_429 : vector<16xi32>
      %select_n3A_433 = arith.select %eq3A_432, %div3A_284, %broadcast_in_dim3A_286 : vector<16xi1>, vector<16xf32>
      %add3A_434 = arith.addf %select_n3A_431, %select_n3A_433 : vector<16xf32>
      %mul3A_435 = arith.constant 16 : i32
      %mul3A_436 = arith.muli %scan3A_58, %mul3A_435 : i32
      %swap3A_437 = arith.constant 11 : i32
      %swap3A_438 = arith.index_cast %swap3A_437 : i32 to index
      %swap3A_439 = arith.index_cast %mul3A_436 : i32 to index
      %swap3A_440 = tpu.vector_load %arg8[%swap3A_438, %swap3A_439] {strides = array<i32>} : memref<16x256xf32, #tpu.memory_space<vmem>>, vector<16xf32>,
      tpu.vector_store %arg8[%swap3A_438, %swap3A_439], %add3A_434 {strides = array<i32>} : memref<16x256xf32, #tpu.memory_space<vmem>>, vector<16xf32>,
      %broadcast_in_dim3A_441 = arith.constant 12 : i32
      %broadcast_in_dim3A_442 = vector.broadcast %broadcast_in_dim3A_441 : i32 to vector<16xi32>
      %eq3A_443 = arith.cmpi eq, %select_n3A_278, %broadcast_in_dim3A_442 : vector<16xi32>
      %select_n3A_444 = arith.select %eq3A_443, %div3A_283, %broadcast_in_dim3A_286 : vector<16xi1>, vector<16xf32>
      %eq3A_445 = arith.cmpi eq, %select_n3A_276, %broadcast_in_dim3A_442 : vector<16xi32>
      %select_n3A_446 = arith.select %eq3A_445, %div3A_284, %broadcast_in_dim3A_286 : vector<16xi1>, vector<16xf32>
      %add3A_447 = arith.addf %select_n3A_444, %select_n3A_446 : vector<16xf32>
      %mul3A_448 = arith.constant 16 : i32
      %mul3A_449 = arith.muli %scan3A_58, %mul3A_448 : i32
      %swap3A_450 = arith.constant 12 : i32
      %swap3A_451 = arith.index_cast %swap3A_450 : i32 to index
      %swap3A_452 = arith.index_cast %mul3A_449 : i32 to index
      %swap3A_453 = tpu.vector_load %arg8[%swap3A_451, %swap3A_452] {strides = array<i32>} : memref<16x256xf32, #tpu.memory_space<vmem>>, vector<16xf32>,
      tpu.vector_store %arg8[%swap3A_451, %swap3A_452], %add3A_447 {strides = array<i32>} : memref<16x256xf32, #tpu.memory_space<vmem>>, vector<16xf32>,
      %broadcast_in_dim3A_454 = arith.constant 13 : i32
      %broadcast_in_dim3A_455 = vector.broadcast %broadcast_in_dim3A_454 : i32 to vector<16xi32>
      %eq3A_456 = arith.cmpi eq, %select_n3A_278, %broadcast_in_dim3A_455 : vector<16xi32>
      %select_n3A_457 = arith.select %eq3A_456, %div3A_283, %broadcast_in_dim3A_286 : vector<16xi1>, vector<16xf32>
      %eq3A_458 = arith.cmpi eq, %select_n3A_276, %broadcast_in_dim3A_455 : vector<16xi32>
      %select_n3A_459 = arith.select %eq3A_458, %div3A_284, %broadcast_in_dim3A_286 : vector<16xi1>, vector<16xf32>
      %add3A_460 = arith.addf %select_n3A_457, %select_n3A_459 : vector<16xf32>
      %mul3A_461 = arith.constant 16 : i32
      %mul3A_462 = arith.muli %scan3A_58, %mul3A_461 : i32
      %swap3A_463 = arith.constant 13 : i32
      %swap3A_464 = arith.index_cast %swap3A_463 : i32 to index
      %swap3A_465 = arith.index_cast %mul3A_462 : i32 to index
      %swap3A_466 = tpu.vector_load %arg8[%swap3A_464, %swap3A_465] {strides = array<i32>} : memref<16x256xf32, #tpu.memory_space<vmem>>, vector<16xf32>,
      tpu.vector_store %arg8[%swap3A_464, %swap3A_465], %add3A_460 {strides = array<i32>} : memref<16x256xf32, #tpu.memory_space<vmem>>, vector<16xf32>,
      %broadcast_in_dim3A_467 = arith.constant 14 : i32
      %broadcast_in_dim3A_468 = vector.broadcast %broadcast_in_dim3A_467 : i32 to vector<16xi32>
      %eq3A_469 = arith.cmpi eq, %select_n3A_278, %broadcast_in_dim3A_468 : vector<16xi32>
      %select_n3A_470 = arith.select %eq3A_469, %div3A_283, %broadcast_in_dim3A_286 : vector<16xi1>, vector<16xf32>
      %eq3A_471 = arith.cmpi eq, %select_n3A_276, %broadcast_in_dim3A_468 : vector<16xi32>
      %select_n3A_472 = arith.select %eq3A_471, %div3A_284, %broadcast_in_dim3A_286 : vector<16xi1>, vector<16xf32>
      %add3A_473 = arith.addf %select_n3A_470, %select_n3A_472 : vector<16xf32>
      %mul3A_474 = arith.constant 16 : i32
      %mul3A_475 = arith.muli %scan3A_58, %mul3A_474 : i32
      %swap3A_476 = arith.constant 14 : i32
      %swap3A_477 = arith.index_cast %swap3A_476 : i32 to index
      %swap3A_478 = arith.index_cast %mul3A_475 : i32 to index
      %swap3A_479 = tpu.vector_load %arg8[%swap3A_477, %swap3A_478] {strides = array<i32>} : memref<16x256xf32, #tpu.memory_space<vmem>>, vector<16xf32>,
      tpu.vector_store %arg8[%swap3A_477, %swap3A_478], %add3A_473 {strides = array<i32>} : memref<16x256xf32, #tpu.memory_space<vmem>>, vector<16xf32>,
      %broadcast_in_dim3A_480 = arith.constant 15 : i32
      %broadcast_in_dim3A_481 = vector.broadcast %broadcast_in_dim3A_480 : i32 to vector<16xi32>
      %eq3A_482 = arith.cmpi eq, %select_n3A_278, %broadcast_in_dim3A_481 : vector<16xi32>
      %select_n3A_483 = arith.select %eq3A_482, %div3A_283, %broadcast_in_dim3A_286 : vector<16xi1>, vector<16xf32>
      %eq3A_484 = arith.cmpi eq, %select_n3A_276, %broadcast_in_dim3A_481 : vector<16xi32>
      %select_n3A_485 = arith.select %eq3A_484, %div3A_284, %broadcast_in_dim3A_286 : vector<16xi1>, vector<16xf32>
      %add3A_486 = arith.addf %select_n3A_483, %select_n3A_485 : vector<16xf32>
      %mul3A_487 = arith.constant 16 : i32
      %mul3A_488 = arith.muli %scan3A_58, %mul3A_487 : i32
      %swap3A_489 = arith.constant 15 : i32
      %swap3A_490 = arith.index_cast %swap3A_489 : i32 to index
      %swap3A_491 = arith.index_cast %mul3A_488 : i32 to index
      %swap3A_492 = tpu.vector_load %arg8[%swap3A_490, %swap3A_491] {strides = array<i32>} : memref<16x256xf32, #tpu.memory_space<vmem>>, vector<16xf32>,
      tpu.vector_store %arg8[%swap3A_490, %swap3A_491], %add3A_486 {strides = array<i32>} : memref<16x256xf32, #tpu.memory_space<vmem>>, vector<16xf32>,
      %broadcast_in_dim3A_493 = arith.constant 0 : i32
      %broadcast_in_dim3A_494 = vector.broadcast %broadcast_in_dim3A_493 : i32 to vector<16xi32>
      tpu.vector_store_idx %arg9[%add3A_62, %broadcast_in_dim3A_494], %select_n3A_278 : memref<256x2xi32, #tpu.memory_space<vmem>>[vector<16xi32>, vector<16xi32>], vector<16xi32>,
      %broadcast_in_dim3A_495 = arith.constant 1 : i32
      %broadcast_in_dim3A_496 = vector.broadcast %broadcast_in_dim3A_495 : i32 to vector<16xi32>
      tpu.vector_store_idx %arg9[%add3A_62, %broadcast_in_dim3A_496], %select_n3A_276 : memref<256x2xi32, #tpu.memory_space<vmem>>[vector<16xi32>, vector<16xi32>], vector<16xi32>,
    }
    %scan3A_55 = arith.constant 16 : i32
    %add3A_56 = arith.constant 0 : i32
    %add3A_57 = arith.addi %add3A_56, %mul3A_2 : i32
    "tpu.region"() ({
      %run_scoped3A = tpu.sem_alloc : memref<!tpu.dma_semaphore, #tpu.memory_space<semaphore_mem>>
      %dma_start3A = arith.constant 0 : i32
      %dma_start3A_58 = tpu.memref_slice %arg5[%dma_start3A, %add3A_57] : memref<16x16384xf32, #tpu.memory_space<hbm>> -> memref<16x256xf32, #tpu.memory_space<hbm>>
      %dma_start3A_59 = arith.constant 0 : i32
      %dma_start3A_60 = tpu.memref_slice %arg5[%dma_start3A_59, %add3A_57] : memref<16x16384xf32, #tpu.memory_space<hbm>> -> memref<16x256xf32, #tpu.memory_space<hbm>>
      tpu.enqueue_dma source(%arg8 : memref<16x256xf32, #tpu.memory_space<vmem>>) target(%dma_start3A_60 : memref<16x256xf32, #tpu.memory_space<hbm>>) target_semaphore(%run_scoped3A : memref<!tpu.dma_semaphore, #tpu.memory_space<semaphore_mem>>)
      %dma_wait3A = arith.constant 0 : i32
      %dma_wait3A_61 = tpu.memref_slice %arg5[%dma_wait3A, %add3A_57] : memref<16x16384xf32, #tpu.memory_space<hbm>> -> memref<16x256xf32, #tpu.memory_space<hbm>>
      %dma_wait3A_62 = arith.constant 0 : i32
      %dma_wait3A_63 = tpu.memref_slice %arg5[%dma_wait3A_62, %add3A_57] : memref<16x16384xf32, #tpu.memory_space<hbm>> -> memref<16x256xf32, #tpu.memory_space<hbm>>
      tpu.wait_dma2 semaphore(%run_scoped3A : memref<!tpu.dma_semaphore, #tpu.memory_space<semaphore_mem>>) src(%arg8 : memref<16x256xf32, #tpu.memory_space<vmem>>) dst(%dma_wait3A_63 : memref<16x256xf32, #tpu.memory_space<hbm>>)
      tpu.yield
    }) : () -> ()
    "tpu.region"() ({
      %run_scoped3A = tpu.sem_alloc : memref<!tpu.dma_semaphore, #tpu.memory_space<semaphore_mem>>
      %dma_start3A = arith.constant 0 : i32
      %dma_start3A_58 = tpu.memref_slice %arg6[%mul3A_2, %dma_start3A] : memref<8192x2xi32, #tpu.memory_space<hbm>> -> memref<256x2xi32, #tpu.memory_space<hbm>>
      %dma_start3A_59 = arith.constant 0 : i32
      %dma_start3A_60 = tpu.memref_slice %arg6[%mul3A_2, %dma_start3A_59] : memref<8192x2xi32, #tpu.memory_space<hbm>> -> memref<256x2xi32, #tpu.memory_space<hbm>>
      tpu.enqueue_dma source(%arg9 : memref<256x2xi32, #tpu.memory_space<vmem>>) target(%dma_start3A_60 : memref<256x2xi32, #tpu.memory_space<hbm>>) target_semaphore(%run_scoped3A : memref<!tpu.dma_semaphore, #tpu.memory_space<semaphore_mem>>)
      %dma_wait3A = arith.constant 0 : i32
      %dma_wait3A_61 = tpu.memref_slice %arg6[%mul3A_2, %dma_wait3A] : memref<8192x2xi32, #tpu.memory_space<hbm>> -> memref<256x2xi32, #tpu.memory_space<hbm>>
      %dma_wait3A_62 = arith.constant 0 : i32
      %dma_wait3A_63 = tpu.memref_slice %arg6[%mul3A_2, %dma_wait3A_62] : memref<8192x2xi32, #tpu.memory_space<hbm>> -> memref<256x2xi32, #tpu.memory_space<hbm>>
      tpu.wait_dma2 semaphore(%run_scoped3A : memref<!tpu.dma_semaphore, #tpu.memory_space<semaphore_mem>>) src(%arg9 : memref<256x2xi32, #tpu.memory_space<vmem>>) dst(%dma_wait3A_63 : memref<256x2xi32, #tpu.memory_space<hbm>>)
      tpu.yield
    }) : () -> ()
    return
  }
}

#map = affine_map<(d0, d1) -> (0, 0)>
module attributes {stable_mosaic.version = 14 : i64} {
  func.func @_router_sc(%arg0: i32, %arg1: i32, %arg2: memref<8192x16xf32, #tpu.memory_space<hbm>>, %arg3: memref<512x16xf32, #tpu.memory_space<hbm>>, %arg4: memref<16x16xf32, #tpu.memory_space<hbm>>, %arg5: memref<16x16384xf32, #tpu.memory_space<hbm>>, %arg6: memref<8192x2xi32, #tpu.memory_space<hbm>>, %arg7: memref<256x16xf32, #tpu.memory_space<vmem>>, %arg8: memref<16x256xf32, #tpu.memory_space<vmem>>, %arg9: memref<256x2xi32, #tpu.memory_space<vmem>>, %arg10: memref<16x16xf32, #tpu.memory_space<vmem>>, %arg11: memref<16x16xf32, #tpu.memory_space<vmem>>) attributes {dimension_semantics = [#tpu.dimension_semantics<core_parallel>, #tpu.dimension_semantics<subcore_parallel>], iteration_bounds = array<i64: 2, 16>, scalar_prefetch = 0 : i64, scratch_operands = 5 : i64, tpu.core_type = #tpu.core_type<sc_vector_subcore>, window_params = [{transform_indices = #map}, {transform_indices = #map}, {transform_indices = #map}, {transform_indices = #map}, {transform_indices = #map}]} {
    %mul3A = arith.constant 2 : i32
    %mul3A_0 = arith.muli %arg1, %mul3A : i32
    %add3A = arith.addi %mul3A_0, %arg0 : i32
    %mul3A_1 = arith.constant 256 : i32
    %mul3A_2 = arith.muli %add3A, %mul3A_1 : i32
    "tpu.region"() ({
      %run_scoped3A = tpu.sem_alloc : memref<!tpu.dma_semaphore, #tpu.memory_space<semaphore_mem>>
      %dma_start3A = arith.constant 0 : i32
      %dma_start3A_58 = tpu.memref_slice %arg2[%mul3A_2, %dma_start3A] : memref<8192x16xf32, #tpu.memory_space<hbm>> -> memref<256x16xf32, #tpu.memory_space<hbm>>
      %dma_start3A_59 = arith.constant 0 : i32
      %dma_start3A_60 = tpu.memref_slice %arg2[%mul3A_2, %dma_start3A_59] : memref<8192x16xf32, #tpu.memory_space<hbm>> -> memref<256x16xf32, #tpu.memory_space<hbm>>
      tpu.enqueue_dma source(%dma_start3A_60 : memref<256x16xf32, #tpu.memory_space<hbm>>) target(%arg7 : memref<256x16xf32, #tpu.memory_space<vmem>>) target_semaphore(%run_scoped3A : memref<!tpu.dma_semaphore, #tpu.memory_space<semaphore_mem>>)
      %dma_wait3A = arith.constant 0 : i32
      %dma_wait3A_61 = tpu.memref_slice %arg2[%mul3A_2, %dma_wait3A] : memref<8192x16xf32, #tpu.memory_space<hbm>> -> memref<256x16xf32, #tpu.memory_space<hbm>>
      %dma_wait3A_62 = arith.constant 0 : i32
      %dma_wait3A_63 = tpu.memref_slice %arg2[%mul3A_2, %dma_wait3A_62] : memref<8192x16xf32, #tpu.memory_space<hbm>> -> memref<256x16xf32, #tpu.memory_space<hbm>>
      tpu.wait_dma2 semaphore(%run_scoped3A : memref<!tpu.dma_semaphore, #tpu.memory_space<semaphore_mem>>) src(%dma_wait3A_63 : memref<256x16xf32, #tpu.memory_space<hbm>>) dst(%arg7 : memref<256x16xf32, #tpu.memory_space<vmem>>)
      tpu.yield
    }) : () -> ()
    %mul3A_3 = arith.constant 16 : i32
    %mul3A_4 = arith.muli %add3A, %mul3A_3 : i32
    "tpu.region"() ({
      %run_scoped3A = tpu.sem_alloc : memref<!tpu.dma_semaphore, #tpu.memory_space<semaphore_mem>>
      %dma_start3A = arith.constant 0 : i32
      %dma_start3A_58 = tpu.memref_slice %arg3[%mul3A_4, %dma_start3A] : memref<512x16xf32, #tpu.memory_space<hbm>> -> memref<16x16xf32, #tpu.memory_space<hbm>>
      %dma_start3A_59 = arith.constant 0 : i32
      %dma_start3A_60 = tpu.memref_slice %arg3[%mul3A_4, %dma_start3A_59] : memref<512x16xf32, #tpu.memory_space<hbm>> -> memref<16x16xf32, #tpu.memory_space<hbm>>
      tpu.enqueue_dma source(%dma_start3A_60 : memref<16x16xf32, #tpu.memory_space<hbm>>) target(%arg10 : memref<16x16xf32, #tpu.memory_space<vmem>>) target_semaphore(%run_scoped3A : memref<!tpu.dma_semaphore, #tpu.memory_space<semaphore_mem>>)
      %dma_wait3A = arith.constant 0 : i32
      %dma_wait3A_61 = tpu.memref_slice %arg3[%mul3A_4, %dma_wait3A] : memref<512x16xf32, #tpu.memory_space<hbm>> -> memref<16x16xf32, #tpu.memory_space<hbm>>
      %dma_wait3A_62 = arith.constant 0 : i32
      %dma_wait3A_63 = tpu.memref_slice %arg3[%mul3A_4, %dma_wait3A_62] : memref<512x16xf32, #tpu.memory_space<hbm>> -> memref<16x16xf32, #tpu.memory_space<hbm>>
      tpu.wait_dma2 semaphore(%run_scoped3A : memref<!tpu.dma_semaphore, #tpu.memory_space<semaphore_mem>>) src(%dma_wait3A_63 : memref<16x16xf32, #tpu.memory_space<hbm>>) dst(%arg10 : memref<16x16xf32, #tpu.memory_space<vmem>>)
      tpu.yield
    }) : () -> ()
    "tpu.region"() ({
      %run_scoped3A = tpu.sem_alloc : memref<!tpu.dma_semaphore, #tpu.memory_space<semaphore_mem>>
      tpu.enqueue_dma source(%arg4 : memref<16x16xf32, #tpu.memory_space<hbm>>) target(%arg11 : memref<16x16xf32, #tpu.memory_space<vmem>>) target_semaphore(%run_scoped3A : memref<!tpu.dma_semaphore, #tpu.memory_space<semaphore_mem>>)
      tpu.wait_dma2 semaphore(%run_scoped3A : memref<!tpu.dma_semaphore, #tpu.memory_space<semaphore_mem>>) src(%arg4 : memref<16x16xf32, #tpu.memory_space<hbm>>) dst(%arg11 : memref<16x16xf32, #tpu.memory_space<vmem>>)
      tpu.yield
    }) : () -> ()
    %iota3A = tpu.iota {dimensions = array<i32: 0>} : vector<16xi32>
    %broadcast_in_dim3A = arith.constant 0 : i32
    %broadcast_in_dim3A_5 = vector.broadcast %broadcast_in_dim3A : i32 to vector<16xi32>
    %gather3A = tpu.vector_load_idx %arg11[%iota3A, %broadcast_in_dim3A_5] : memref<16x16xf32, #tpu.memory_space<vmem>>[vector<16xi32>, vector<16xi32>], vector<16xf32>,
    %broadcast_in_dim3A_6 = arith.constant 1 : i32
    %broadcast_in_dim3A_7 = vector.broadcast %broadcast_in_dim3A_6 : i32 to vector<16xi32>
    %gather3A_8 = tpu.vector_load_idx %arg11[%iota3A, %broadcast_in_dim3A_7] : memref<16x16xf32, #tpu.memory_space<vmem>>[vector<16xi32>, vector<16xi32>], vector<16xf32>,
    %broadcast_in_dim3A_9 = arith.constant 2 : i32
    %broadcast_in_dim3A_10 = vector.broadcast %broadcast_in_dim3A_9 : i32 to vector<16xi32>
    %gather3A_11 = tpu.vector_load_idx %arg11[%iota3A, %broadcast_in_dim3A_10] : memref<16x16xf32, #tpu.memory_space<vmem>>[vector<16xi32>, vector<16xi32>], vector<16xf32>,
    %broadcast_in_dim3A_12 = arith.constant 3 : i32
    %broadcast_in_dim3A_13 = vector.broadcast %broadcast_in_dim3A_12 : i32 to vector<16xi32>
    %gather3A_14 = tpu.vector_load_idx %arg11[%iota3A, %broadcast_in_dim3A_13] : memref<16x16xf32, #tpu.memory_space<vmem>>[vector<16xi32>, vector<16xi32>], vector<16xf32>,
    %broadcast_in_dim3A_15 = arith.constant 4 : i32
    %broadcast_in_dim3A_16 = vector.broadcast %broadcast_in_dim3A_15 : i32 to vector<16xi32>
    %gather3A_17 = tpu.vector_load_idx %arg11[%iota3A, %broadcast_in_dim3A_16] : memref<16x16xf32, #tpu.memory_space<vmem>>[vector<16xi32>, vector<16xi32>], vector<16xf32>,
    %broadcast_in_dim3A_18 = arith.constant 5 : i32
    %broadcast_in_dim3A_19 = vector.broadcast %broadcast_in_dim3A_18 : i32 to vector<16xi32>
    %gather3A_20 = tpu.vector_load_idx %arg11[%iota3A, %broadcast_in_dim3A_19] : memref<16x16xf32, #tpu.memory_space<vmem>>[vector<16xi32>, vector<16xi32>], vector<16xf32>,
    %broadcast_in_dim3A_21 = arith.constant 6 : i32
    %broadcast_in_dim3A_22 = vector.broadcast %broadcast_in_dim3A_21 : i32 to vector<16xi32>
    %gather3A_23 = tpu.vector_load_idx %arg11[%iota3A, %broadcast_in_dim3A_22] : memref<16x16xf32, #tpu.memory_space<vmem>>[vector<16xi32>, vector<16xi32>], vector<16xf32>,
    %broadcast_in_dim3A_24 = arith.constant 7 : i32
    %broadcast_in_dim3A_25 = vector.broadcast %broadcast_in_dim3A_24 : i32 to vector<16xi32>
    %gather3A_26 = tpu.vector_load_idx %arg11[%iota3A, %broadcast_in_dim3A_25] : memref<16x16xf32, #tpu.memory_space<vmem>>[vector<16xi32>, vector<16xi32>], vector<16xf32>,
    %broadcast_in_dim3A_27 = arith.constant 8 : i32
    %broadcast_in_dim3A_28 = vector.broadcast %broadcast_in_dim3A_27 : i32 to vector<16xi32>
    %gather3A_29 = tpu.vector_load_idx %arg11[%iota3A, %broadcast_in_dim3A_28] : memref<16x16xf32, #tpu.memory_space<vmem>>[vector<16xi32>, vector<16xi32>], vector<16xf32>,
    %broadcast_in_dim3A_30 = arith.constant 9 : i32
    %broadcast_in_dim3A_31 = vector.broadcast %broadcast_in_dim3A_30 : i32 to vector<16xi32>
    %gather3A_32 = tpu.vector_load_idx %arg11[%iota3A, %broadcast_in_dim3A_31] : memref<16x16xf32, #tpu.memory_space<vmem>>[vector<16xi32>, vector<16xi32>], vector<16xf32>,
    %broadcast_in_dim3A_33 = arith.constant 10 : i32
    %broadcast_in_dim3A_34 = vector.broadcast %broadcast_in_dim3A_33 : i32 to vector<16xi32>
    %gather3A_35 = tpu.vector_load_idx %arg11[%iota3A, %broadcast_in_dim3A_34] : memref<16x16xf32, #tpu.memory_space<vmem>>[vector<16xi32>, vector<16xi32>], vector<16xf32>,
    %broadcast_in_dim3A_36 = arith.constant 11 : i32
    %broadcast_in_dim3A_37 = vector.broadcast %broadcast_in_dim3A_36 : i32 to vector<16xi32>
    %gather3A_38 = tpu.vector_load_idx %arg11[%iota3A, %broadcast_in_dim3A_37] : memref<16x16xf32, #tpu.memory_space<vmem>>[vector<16xi32>, vector<16xi32>], vector<16xf32>,
    %broadcast_in_dim3A_39 = arith.constant 12 : i32
    %broadcast_in_dim3A_40 = vector.broadcast %broadcast_in_dim3A_39 : i32 to vector<16xi32>
    %gather3A_41 = tpu.vector_load_idx %arg11[%iota3A, %broadcast_in_dim3A_40] : memref<16x16xf32, #tpu.memory_space<vmem>>[vector<16xi32>, vector<16xi32>], vector<16xf32>,
    %broadcast_in_dim3A_42 = arith.constant 13 : i32
    %broadcast_in_dim3A_43 = vector.broadcast %broadcast_in_dim3A_42 : i32 to vector<16xi32>
    %gather3A_44 = tpu.vector_load_idx %arg11[%iota3A, %broadcast_in_dim3A_43] : memref<16x16xf32, #tpu.memory_space<vmem>>[vector<16xi32>, vector<16xi32>], vector<16xf32>,
    %broadcast_in_dim3A_45 = arith.constant 14 : i32
    %broadcast_in_dim3A_46 = vector.broadcast %broadcast_in_dim3A_45 : i32 to vector<16xi32>
    %gather3A_47 = tpu.vector_load_idx %arg11[%iota3A, %broadcast_in_dim3A_46] : memref<16x16xf32, #tpu.memory_space<vmem>>[vector<16xi32>, vector<16xi32>], vector<16xf32>,
    %broadcast_in_dim3A_48 = arith.constant 15 : i32
    %broadcast_in_dim3A_49 = vector.broadcast %broadcast_in_dim3A_48 : i32 to vector<16xi32>
    %gather3A_50 = tpu.vector_load_idx %arg11[%iota3A, %broadcast_in_dim3A_49] : memref<16x16xf32, #tpu.memory_space<vmem>>[vector<16xi32>, vector<16xi32>], vector<16xf32>,
    %scan3A = arith.constant 0 : i32
    %scan3A_51 = arith.constant 0 : i32
    %scan3A_52 = arith.constant 16 : i32
    %scan3A_53 = arith.addi %scan3A_51, %scan3A_52 : i32
    %scan3A_54 = arith.constant 1 : i32
    scf.for %scan3A_58 = %scan3A_51 to %scan3A_53 step %scan3A_54  : i32 {
      %mul3A_59 = arith.constant 16 : i32
      %mul3A_60 = arith.muli %scan3A_58, %mul3A_59 : i32
      %add3A_61 = vector.broadcast %mul3A_60 : i32 to vector<16xi32>
      %add3A_62 = arith.addi %add3A_61, %iota3A : vector<16xi32>
      %broadcast_in_dim3A_63 = vector.broadcast %scan3A_58 : i32 to vector<16xi32>
      %gather3A_64 = tpu.vector_load_idx %arg10[%broadcast_in_dim3A_63, %iota3A] : memref<16x16xf32, #tpu.memory_space<vmem>>[vector<16xi32>, vector<16xi32>], vector<16xf32>,
      %broadcast_in_dim3A_65 = arith.constant 0xFF800000 : f32
      %broadcast_in_dim3A_66 = vector.broadcast %broadcast_in_dim3A_65 : f32 to vector<16xf32>
      %broadcast_in_dim3A_67 = arith.constant 0xFF800000 : f32
      %broadcast_in_dim3A_68 = vector.broadcast %broadcast_in_dim3A_67 : f32 to vector<16xf32>
      %broadcast_in_dim3A_69 = arith.constant 0 : i32
      %broadcast_in_dim3A_70 = vector.broadcast %broadcast_in_dim3A_69 : i32 to vector<16xi32>
      %broadcast_in_dim3A_71 = arith.constant 0 : i32
      %broadcast_in_dim3A_72 = vector.broadcast %broadcast_in_dim3A_71 : i32 to vector<16xi32>
      %broadcast_in_dim3A_73 = arith.constant 0 : i32
      %broadcast_in_dim3A_74 = vector.broadcast %broadcast_in_dim3A_73 : i32 to vector<16xi32>
      %gather3A_75 = tpu.vector_load_idx %arg7[%add3A_62, %broadcast_in_dim3A_74] : memref<256x16xf32, #tpu.memory_space<vmem>>[vector<16xi32>, vector<16xi32>], vector<16xf32>,
      %mul3A_76 = arith.mulf %gather3A_64, %gather3A : vector<16xf32>
      %add3A_77 = arith.addf %gather3A_75, %mul3A_76 : vector<16xf32>
      %gt3A = arith.cmpf ogt, %add3A_77, %broadcast_in_dim3A_66 : vector<16xf32>
      %gt3A_78 = arith.cmpf ogt, %add3A_77, %broadcast_in_dim3A_68 : vector<16xf32>
      %select_n3A = arith.select %gt3A_78, %add3A_77, %broadcast_in_dim3A_68 : vector<16xi1>, vector<16xf32>
      %select_n3A_79 = arith.select %gt3A, %broadcast_in_dim3A_66, %select_n3A : vector<16xi1>, vector<16xf32>
      %select_n3A_80 = arith.select %gt3A_78, %broadcast_in_dim3A_74, %broadcast_in_dim3A_72 : vector<16xi1>, vector<16xi32>
      %select_n3A_81 = arith.select %gt3A, %broadcast_in_dim3A_70, %select_n3A_80 : vector<16xi1>, vector<16xi32>
      %select_n3A_82 = arith.select %gt3A, %add3A_77, %broadcast_in_dim3A_66 : vector<16xi1>, vector<16xf32>
      %select_n3A_83 = arith.select %gt3A, %broadcast_in_dim3A_74, %broadcast_in_dim3A_70 : vector<16xi1>, vector<16xi32>
      %broadcast_in_dim3A_84 = arith.constant 1 : i32
      %broadcast_in_dim3A_85 = vector.broadcast %broadcast_in_dim3A_84 : i32 to vector<16xi32>
      %gather3A_86 = tpu.vector_load_idx %arg7[%add3A_62, %broadcast_in_dim3A_85] : memref<256x16xf32, #tpu.memory_space<vmem>>[vector<16xi32>, vector<16xi32>], vector<16xf32>,
      %mul3A_87 = arith.mulf %gather3A_64, %gather3A_8 : vector<16xf32>
      %add3A_88 = arith.addf %gather3A_86, %mul3A_87 : vector<16xf32>
      %gt3A_89 = arith.cmpf ogt, %add3A_88, %select_n3A_82 : vector<16xf32>
      %gt3A_90 = arith.cmpf ogt, %add3A_88, %select_n3A_79 : vector<16xf32>
      %select_n3A_91 = arith.select %gt3A_90, %add3A_88, %select_n3A_79 : vector<16xi1>, vector<16xf32>
      %select_n3A_92 = arith.select %gt3A_89, %select_n3A_82, %select_n3A_91 : vector<16xi1>, vector<16xf32>
      %select_n3A_93 = arith.select %gt3A_90, %broadcast_in_dim3A_85, %select_n3A_81 : vector<16xi1>, vector<16xi32>
      %select_n3A_94 = arith.select %gt3A_89, %select_n3A_83, %select_n3A_93 : vector<16xi1>, vector<16xi32>
      %select_n3A_95 = arith.select %gt3A_89, %add3A_88, %select_n3A_82 : vector<16xi1>, vector<16xf32>
      %select_n3A_96 = arith.select %gt3A_89, %broadcast_in_dim3A_85, %select_n3A_83 : vector<16xi1>, vector<16xi32>
      %broadcast_in_dim3A_97 = arith.constant 2 : i32
      %broadcast_in_dim3A_98 = vector.broadcast %broadcast_in_dim3A_97 : i32 to vector<16xi32>
      %gather3A_99 = tpu.vector_load_idx %arg7[%add3A_62, %broadcast_in_dim3A_98] : memref<256x16xf32, #tpu.memory_space<vmem>>[vector<16xi32>, vector<16xi32>], vector<16xf32>,
      %mul3A_100 = arith.mulf %gather3A_64, %gather3A_11 : vector<16xf32>
      %add3A_101 = arith.addf %gather3A_99, %mul3A_100 : vector<16xf32>
      %gt3A_102 = arith.cmpf ogt, %add3A_101, %select_n3A_95 : vector<16xf32>
      %gt3A_103 = arith.cmpf ogt, %add3A_101, %select_n3A_92 : vector<16xf32>
      %select_n3A_104 = arith.select %gt3A_103, %add3A_101, %select_n3A_92 : vector<16xi1>, vector<16xf32>
      %select_n3A_105 = arith.select %gt3A_102, %select_n3A_95, %select_n3A_104 : vector<16xi1>, vector<16xf32>
      %select_n3A_106 = arith.select %gt3A_103, %broadcast_in_dim3A_98, %select_n3A_94 : vector<16xi1>, vector<16xi32>
      %select_n3A_107 = arith.select %gt3A_102, %select_n3A_96, %select_n3A_106 : vector<16xi1>, vector<16xi32>
      %select_n3A_108 = arith.select %gt3A_102, %add3A_101, %select_n3A_95 : vector<16xi1>, vector<16xf32>
      %select_n3A_109 = arith.select %gt3A_102, %broadcast_in_dim3A_98, %select_n3A_96 : vector<16xi1>, vector<16xi32>
      %broadcast_in_dim3A_110 = arith.constant 3 : i32
      %broadcast_in_dim3A_111 = vector.broadcast %broadcast_in_dim3A_110 : i32 to vector<16xi32>
      %gather3A_112 = tpu.vector_load_idx %arg7[%add3A_62, %broadcast_in_dim3A_111] : memref<256x16xf32, #tpu.memory_space<vmem>>[vector<16xi32>, vector<16xi32>], vector<16xf32>,
      %mul3A_113 = arith.mulf %gather3A_64, %gather3A_14 : vector<16xf32>
      %add3A_114 = arith.addf %gather3A_112, %mul3A_113 : vector<16xf32>
      %gt3A_115 = arith.cmpf ogt, %add3A_114, %select_n3A_108 : vector<16xf32>
      %gt3A_116 = arith.cmpf ogt, %add3A_114, %select_n3A_105 : vector<16xf32>
      %select_n3A_117 = arith.select %gt3A_116, %add3A_114, %select_n3A_105 : vector<16xi1>, vector<16xf32>
      %select_n3A_118 = arith.select %gt3A_115, %select_n3A_108, %select_n3A_117 : vector<16xi1>, vector<16xf32>
      %select_n3A_119 = arith.select %gt3A_116, %broadcast_in_dim3A_111, %select_n3A_107 : vector<16xi1>, vector<16xi32>
      %select_n3A_120 = arith.select %gt3A_115, %select_n3A_109, %select_n3A_119 : vector<16xi1>, vector<16xi32>
      %select_n3A_121 = arith.select %gt3A_115, %add3A_114, %select_n3A_108 : vector<16xi1>, vector<16xf32>
      %select_n3A_122 = arith.select %gt3A_115, %broadcast_in_dim3A_111, %select_n3A_109 : vector<16xi1>, vector<16xi32>
      %broadcast_in_dim3A_123 = arith.constant 4 : i32
      %broadcast_in_dim3A_124 = vector.broadcast %broadcast_in_dim3A_123 : i32 to vector<16xi32>
      %gather3A_125 = tpu.vector_load_idx %arg7[%add3A_62, %broadcast_in_dim3A_124] : memref<256x16xf32, #tpu.memory_space<vmem>>[vector<16xi32>, vector<16xi32>], vector<16xf32>,
      %mul3A_126 = arith.mulf %gather3A_64, %gather3A_17 : vector<16xf32>
      %add3A_127 = arith.addf %gather3A_125, %mul3A_126 : vector<16xf32>
      %gt3A_128 = arith.cmpf ogt, %add3A_127, %select_n3A_121 : vector<16xf32>
      %gt3A_129 = arith.cmpf ogt, %add3A_127, %select_n3A_118 : vector<16xf32>
      %select_n3A_130 = arith.select %gt3A_129, %add3A_127, %select_n3A_118 : vector<16xi1>, vector<16xf32>
      %select_n3A_131 = arith.select %gt3A_128, %select_n3A_121, %select_n3A_130 : vector<16xi1>, vector<16xf32>
      %select_n3A_132 = arith.select %gt3A_129, %broadcast_in_dim3A_124, %select_n3A_120 : vector<16xi1>, vector<16xi32>
      %select_n3A_133 = arith.select %gt3A_128, %select_n3A_122, %select_n3A_132 : vector<16xi1>, vector<16xi32>
      %select_n3A_134 = arith.select %gt3A_128, %add3A_127, %select_n3A_121 : vector<16xi1>, vector<16xf32>
      %select_n3A_135 = arith.select %gt3A_128, %broadcast_in_dim3A_124, %select_n3A_122 : vector<16xi1>, vector<16xi32>
      %broadcast_in_dim3A_136 = arith.constant 5 : i32
      %broadcast_in_dim3A_137 = vector.broadcast %broadcast_in_dim3A_136 : i32 to vector<16xi32>
      %gather3A_138 = tpu.vector_load_idx %arg7[%add3A_62, %broadcast_in_dim3A_137] : memref<256x16xf32, #tpu.memory_space<vmem>>[vector<16xi32>, vector<16xi32>], vector<16xf32>,
      %mul3A_139 = arith.mulf %gather3A_64, %gather3A_20 : vector<16xf32>
      %add3A_140 = arith.addf %gather3A_138, %mul3A_139 : vector<16xf32>
      %gt3A_141 = arith.cmpf ogt, %add3A_140, %select_n3A_134 : vector<16xf32>
      %gt3A_142 = arith.cmpf ogt, %add3A_140, %select_n3A_131 : vector<16xf32>
      %select_n3A_143 = arith.select %gt3A_142, %add3A_140, %select_n3A_131 : vector<16xi1>, vector<16xf32>
      %select_n3A_144 = arith.select %gt3A_141, %select_n3A_134, %select_n3A_143 : vector<16xi1>, vector<16xf32>
      %select_n3A_145 = arith.select %gt3A_142, %broadcast_in_dim3A_137, %select_n3A_133 : vector<16xi1>, vector<16xi32>
      %select_n3A_146 = arith.select %gt3A_141, %select_n3A_135, %select_n3A_145 : vector<16xi1>, vector<16xi32>
      %select_n3A_147 = arith.select %gt3A_141, %add3A_140, %select_n3A_134 : vector<16xi1>, vector<16xf32>
      %select_n3A_148 = arith.select %gt3A_141, %broadcast_in_dim3A_137, %select_n3A_135 : vector<16xi1>, vector<16xi32>
      %broadcast_in_dim3A_149 = arith.constant 6 : i32
      %broadcast_in_dim3A_150 = vector.broadcast %broadcast_in_dim3A_149 : i32 to vector<16xi32>
      %gather3A_151 = tpu.vector_load_idx %arg7[%add3A_62, %broadcast_in_dim3A_150] : memref<256x16xf32, #tpu.memory_space<vmem>>[vector<16xi32>, vector<16xi32>], vector<16xf32>,
      %mul3A_152 = arith.mulf %gather3A_64, %gather3A_23 : vector<16xf32>
      %add3A_153 = arith.addf %gather3A_151, %mul3A_152 : vector<16xf32>
      %gt3A_154 = arith.cmpf ogt, %add3A_153, %select_n3A_147 : vector<16xf32>
      %gt3A_155 = arith.cmpf ogt, %add3A_153, %select_n3A_144 : vector<16xf32>
      %select_n3A_156 = arith.select %gt3A_155, %add3A_153, %select_n3A_144 : vector<16xi1>, vector<16xf32>
      %select_n3A_157 = arith.select %gt3A_154, %select_n3A_147, %select_n3A_156 : vector<16xi1>, vector<16xf32>
      %select_n3A_158 = arith.select %gt3A_155, %broadcast_in_dim3A_150, %select_n3A_146 : vector<16xi1>, vector<16xi32>
      %select_n3A_159 = arith.select %gt3A_154, %select_n3A_148, %select_n3A_158 : vector<16xi1>, vector<16xi32>
      %select_n3A_160 = arith.select %gt3A_154, %add3A_153, %select_n3A_147 : vector<16xi1>, vector<16xf32>
      %select_n3A_161 = arith.select %gt3A_154, %broadcast_in_dim3A_150, %select_n3A_148 : vector<16xi1>, vector<16xi32>
      %broadcast_in_dim3A_162 = arith.constant 7 : i32
      %broadcast_in_dim3A_163 = vector.broadcast %broadcast_in_dim3A_162 : i32 to vector<16xi32>
      %gather3A_164 = tpu.vector_load_idx %arg7[%add3A_62, %broadcast_in_dim3A_163] : memref<256x16xf32, #tpu.memory_space<vmem>>[vector<16xi32>, vector<16xi32>], vector<16xf32>,
      %mul3A_165 = arith.mulf %gather3A_64, %gather3A_26 : vector<16xf32>
      %add3A_166 = arith.addf %gather3A_164, %mul3A_165 : vector<16xf32>
      %gt3A_167 = arith.cmpf ogt, %add3A_166, %select_n3A_160 : vector<16xf32>
      %gt3A_168 = arith.cmpf ogt, %add3A_166, %select_n3A_157 : vector<16xf32>
      %select_n3A_169 = arith.select %gt3A_168, %add3A_166, %select_n3A_157 : vector<16xi1>, vector<16xf32>
      %select_n3A_170 = arith.select %gt3A_167, %select_n3A_160, %select_n3A_169 : vector<16xi1>, vector<16xf32>
      %select_n3A_171 = arith.select %gt3A_168, %broadcast_in_dim3A_163, %select_n3A_159 : vector<16xi1>, vector<16xi32>
      %select_n3A_172 = arith.select %gt3A_167, %select_n3A_161, %select_n3A_171 : vector<16xi1>, vector<16xi32>
      %select_n3A_173 = arith.select %gt3A_167, %add3A_166, %select_n3A_160 : vector<16xi1>, vector<16xf32>
      %select_n3A_174 = arith.select %gt3A_167, %broadcast_in_dim3A_163, %select_n3A_161 : vector<16xi1>, vector<16xi32>
      %broadcast_in_dim3A_175 = arith.constant 8 : i32
      %broadcast_in_dim3A_176 = vector.broadcast %broadcast_in_dim3A_175 : i32 to vector<16xi32>
      %gather3A_177 = tpu.vector_load_idx %arg7[%add3A_62, %broadcast_in_dim3A_176] : memref<256x16xf32, #tpu.memory_space<vmem>>[vector<16xi32>, vector<16xi32>], vector<16xf32>,
      %mul3A_178 = arith.mulf %gather3A_64, %gather3A_29 : vector<16xf32>
      %add3A_179 = arith.addf %gather3A_177, %mul3A_178 : vector<16xf32>
      %gt3A_180 = arith.cmpf ogt, %add3A_179, %select_n3A_173 : vector<16xf32>
      %gt3A_181 = arith.cmpf ogt, %add3A_179, %select_n3A_170 : vector<16xf32>
      %select_n3A_182 = arith.select %gt3A_181, %add3A_179, %select_n3A_170 : vector<16xi1>, vector<16xf32>
      %select_n3A_183 = arith.select %gt3A_180, %select_n3A_173, %select_n3A_182 : vector<16xi1>, vector<16xf32>
      %select_n3A_184 = arith.select %gt3A_181, %broadcast_in_dim3A_176, %select_n3A_172 : vector<16xi1>, vector<16xi32>
      %select_n3A_185 = arith.select %gt3A_180, %select_n3A_174, %select_n3A_184 : vector<16xi1>, vector<16xi32>
      %select_n3A_186 = arith.select %gt3A_180, %add3A_179, %select_n3A_173 : vector<16xi1>, vector<16xf32>
      %select_n3A_187 = arith.select %gt3A_180, %broadcast_in_dim3A_176, %select_n3A_174 : vector<16xi1>, vector<16xi32>
      %broadcast_in_dim3A_188 = arith.constant 9 : i32
      %broadcast_in_dim3A_189 = vector.broadcast %broadcast_in_dim3A_188 : i32 to vector<16xi32>
      %gather3A_190 = tpu.vector_load_idx %arg7[%add3A_62, %broadcast_in_dim3A_189] : memref<256x16xf32, #tpu.memory_space<vmem>>[vector<16xi32>, vector<16xi32>], vector<16xf32>,
      %mul3A_191 = arith.mulf %gather3A_64, %gather3A_32 : vector<16xf32>
      %add3A_192 = arith.addf %gather3A_190, %mul3A_191 : vector<16xf32>
      %gt3A_193 = arith.cmpf ogt, %add3A_192, %select_n3A_186 : vector<16xf32>
      %gt3A_194 = arith.cmpf ogt, %add3A_192, %select_n3A_183 : vector<16xf32>
      %select_n3A_195 = arith.select %gt3A_194, %add3A_192, %select_n3A_183 : vector<16xi1>, vector<16xf32>
      %select_n3A_196 = arith.select %gt3A_193, %select_n3A_186, %select_n3A_195 : vector<16xi1>, vector<16xf32>
      %select_n3A_197 = arith.select %gt3A_194, %broadcast_in_dim3A_189, %select_n3A_185 : vector<16xi1>, vector<16xi32>
      %select_n3A_198 = arith.select %gt3A_193, %select_n3A_187, %select_n3A_197 : vector<16xi1>, vector<16xi32>
      %select_n3A_199 = arith.select %gt3A_193, %add3A_192, %select_n3A_186 : vector<16xi1>, vector<16xf32>
      %select_n3A_200 = arith.select %gt3A_193, %broadcast_in_dim3A_189, %select_n3A_187 : vector<16xi1>, vector<16xi32>
      %broadcast_in_dim3A_201 = arith.constant 10 : i32
      %broadcast_in_dim3A_202 = vector.broadcast %broadcast_in_dim3A_201 : i32 to vector<16xi32>
      %gather3A_203 = tpu.vector_load_idx %arg7[%add3A_62, %broadcast_in_dim3A_202] : memref<256x16xf32, #tpu.memory_space<vmem>>[vector<16xi32>, vector<16xi32>], vector<16xf32>,
      %mul3A_204 = arith.mulf %gather3A_64, %gather3A_35 : vector<16xf32>
      %add3A_205 = arith.addf %gather3A_203, %mul3A_204 : vector<16xf32>
      %gt3A_206 = arith.cmpf ogt, %add3A_205, %select_n3A_199 : vector<16xf32>
      %gt3A_207 = arith.cmpf ogt, %add3A_205, %select_n3A_196 : vector<16xf32>
      %select_n3A_208 = arith.select %gt3A_207, %add3A_205, %select_n3A_196 : vector<16xi1>, vector<16xf32>
      %select_n3A_209 = arith.select %gt3A_206, %select_n3A_199, %select_n3A_208 : vector<16xi1>, vector<16xf32>
      %select_n3A_210 = arith.select %gt3A_207, %broadcast_in_dim3A_202, %select_n3A_198 : vector<16xi1>, vector<16xi32>
      %select_n3A_211 = arith.select %gt3A_206, %select_n3A_200, %select_n3A_210 : vector<16xi1>, vector<16xi32>
      %select_n3A_212 = arith.select %gt3A_206, %add3A_205, %select_n3A_199 : vector<16xi1>, vector<16xf32>
      %select_n3A_213 = arith.select %gt3A_206, %broadcast_in_dim3A_202, %select_n3A_200 : vector<16xi1>, vector<16xi32>
      %broadcast_in_dim3A_214 = arith.constant 11 : i32
      %broadcast_in_dim3A_215 = vector.broadcast %broadcast_in_dim3A_214 : i32 to vector<16xi32>
      %gather3A_216 = tpu.vector_load_idx %arg7[%add3A_62, %broadcast_in_dim3A_215] : memref<256x16xf32, #tpu.memory_space<vmem>>[vector<16xi32>, vector<16xi32>], vector<16xf32>,
      %mul3A_217 = arith.mulf %gather3A_64, %gather3A_38 : vector<16xf32>
      %add3A_218 = arith.addf %gather3A_216, %mul3A_217 : vector<16xf32>
      %gt3A_219 = arith.cmpf ogt, %add3A_218, %select_n3A_212 : vector<16xf32>
      %gt3A_220 = arith.cmpf ogt, %add3A_218, %select_n3A_209 : vector<16xf32>
      %select_n3A_221 = arith.select %gt3A_220, %add3A_218, %select_n3A_209 : vector<16xi1>, vector<16xf32>
      %select_n3A_222 = arith.select %gt3A_219, %select_n3A_212, %select_n3A_221 : vector<16xi1>, vector<16xf32>
      %select_n3A_223 = arith.select %gt3A_220, %broadcast_in_dim3A_215, %select_n3A_211 : vector<16xi1>, vector<16xi32>
      %select_n3A_224 = arith.select %gt3A_219, %select_n3A_213, %select_n3A_223 : vector<16xi1>, vector<16xi32>
      %select_n3A_225 = arith.select %gt3A_219, %add3A_218, %select_n3A_212 : vector<16xi1>, vector<16xf32>
      %select_n3A_226 = arith.select %gt3A_219, %broadcast_in_dim3A_215, %select_n3A_213 : vector<16xi1>, vector<16xi32>
      %broadcast_in_dim3A_227 = arith.constant 12 : i32
      %broadcast_in_dim3A_228 = vector.broadcast %broadcast_in_dim3A_227 : i32 to vector<16xi32>
      %gather3A_229 = tpu.vector_load_idx %arg7[%add3A_62, %broadcast_in_dim3A_228] : memref<256x16xf32, #tpu.memory_space<vmem>>[vector<16xi32>, vector<16xi32>], vector<16xf32>,
      %mul3A_230 = arith.mulf %gather3A_64, %gather3A_41 : vector<16xf32>
      %add3A_231 = arith.addf %gather3A_229, %mul3A_230 : vector<16xf32>
      %gt3A_232 = arith.cmpf ogt, %add3A_231, %select_n3A_225 : vector<16xf32>
      %gt3A_233 = arith.cmpf ogt, %add3A_231, %select_n3A_222 : vector<16xf32>
      %select_n3A_234 = arith.select %gt3A_233, %add3A_231, %select_n3A_222 : vector<16xi1>, vector<16xf32>
      %select_n3A_235 = arith.select %gt3A_232, %select_n3A_225, %select_n3A_234 : vector<16xi1>, vector<16xf32>
      %select_n3A_236 = arith.select %gt3A_233, %broadcast_in_dim3A_228, %select_n3A_224 : vector<16xi1>, vector<16xi32>
      %select_n3A_237 = arith.select %gt3A_232, %select_n3A_226, %select_n3A_236 : vector<16xi1>, vector<16xi32>
      %select_n3A_238 = arith.select %gt3A_232, %add3A_231, %select_n3A_225 : vector<16xi1>, vector<16xf32>
      %select_n3A_239 = arith.select %gt3A_232, %broadcast_in_dim3A_228, %select_n3A_226 : vector<16xi1>, vector<16xi32>
      %broadcast_in_dim3A_240 = arith.constant 13 : i32
      %broadcast_in_dim3A_241 = vector.broadcast %broadcast_in_dim3A_240 : i32 to vector<16xi32>
      %gather3A_242 = tpu.vector_load_idx %arg7[%add3A_62, %broadcast_in_dim3A_241] : memref<256x16xf32, #tpu.memory_space<vmem>>[vector<16xi32>, vector<16xi32>], vector<16xf32>,
      %mul3A_243 = arith.mulf %gather3A_64, %gather3A_44 : vector<16xf32>
      %add3A_244 = arith.addf %gather3A_242, %mul3A_243 : vector<16xf32>
      %gt3A_245 = arith.cmpf ogt, %add3A_244, %select_n3A_238 : vector<16xf32>
      %gt3A_246 = arith.cmpf ogt, %add3A_244, %select_n3A_235 : vector<16xf32>
      %select_n3A_247 = arith.select %gt3A_246, %add3A_244, %select_n3A_235 : vector<16xi1>, vector<16xf32>
      %select_n3A_248 = arith.select %gt3A_245, %select_n3A_238, %select_n3A_247 : vector<16xi1>, vector<16xf32>
      %select_n3A_249 = arith.select %gt3A_246, %broadcast_in_dim3A_241, %select_n3A_237 : vector<16xi1>, vector<16xi32>
      %select_n3A_250 = arith.select %gt3A_245, %select_n3A_239, %select_n3A_249 : vector<16xi1>, vector<16xi32>
      %select_n3A_251 = arith.select %gt3A_245, %add3A_244, %select_n3A_238 : vector<16xi1>, vector<16xf32>
      %select_n3A_252 = arith.select %gt3A_245, %broadcast_in_dim3A_241, %select_n3A_239 : vector<16xi1>, vector<16xi32>
      %broadcast_in_dim3A_253 = arith.constant 14 : i32
      %broadcast_in_dim3A_254 = vector.broadcast %broadcast_in_dim3A_253 : i32 to vector<16xi32>
      %gather3A_255 = tpu.vector_load_idx %arg7[%add3A_62, %broadcast_in_dim3A_254] : memref<256x16xf32, #tpu.memory_space<vmem>>[vector<16xi32>, vector<16xi32>], vector<16xf32>,
      %mul3A_256 = arith.mulf %gather3A_64, %gather3A_47 : vector<16xf32>
      %add3A_257 = arith.addf %gather3A_255, %mul3A_256 : vector<16xf32>
      %gt3A_258 = arith.cmpf ogt, %add3A_257, %select_n3A_251 : vector<16xf32>
      %gt3A_259 = arith.cmpf ogt, %add3A_257, %select_n3A_248 : vector<16xf32>
      %select_n3A_260 = arith.select %gt3A_259, %add3A_257, %select_n3A_248 : vector<16xi1>, vector<16xf32>
      %select_n3A_261 = arith.select %gt3A_258, %select_n3A_251, %select_n3A_260 : vector<16xi1>, vector<16xf32>
      %select_n3A_262 = arith.select %gt3A_259, %broadcast_in_dim3A_254, %select_n3A_250 : vector<16xi1>, vector<16xi32>
      %select_n3A_263 = arith.select %gt3A_258, %select_n3A_252, %select_n3A_262 : vector<16xi1>, vector<16xi32>
      %select_n3A_264 = arith.select %gt3A_258, %add3A_257, %select_n3A_251 : vector<16xi1>, vector<16xf32>
      %select_n3A_265 = arith.select %gt3A_258, %broadcast_in_dim3A_254, %select_n3A_252 : vector<16xi1>, vector<16xi32>
      %broadcast_in_dim3A_266 = arith.constant 15 : i32
      %broadcast_in_dim3A_267 = vector.broadcast %broadcast_in_dim3A_266 : i32 to vector<16xi32>
      %gather3A_268 = tpu.vector_load_idx %arg7[%add3A_62, %broadcast_in_dim3A_267] : memref<256x16xf32, #tpu.memory_space<vmem>>[vector<16xi32>, vector<16xi32>], vector<16xf32>,
      %mul3A_269 = arith.mulf %gather3A_64, %gather3A_50 : vector<16xf32>
      %add3A_270 = arith.addf %gather3A_268, %mul3A_269 : vector<16xf32>
      %gt3A_271 = arith.cmpf ogt, %add3A_270, %select_n3A_264 : vector<16xf32>
      %gt3A_272 = arith.cmpf ogt, %add3A_270, %select_n3A_261 : vector<16xf32>
      %select_n3A_273 = arith.select %gt3A_272, %add3A_270, %select_n3A_261 : vector<16xi1>, vector<16xf32>
      %select_n3A_274 = arith.select %gt3A_271, %select_n3A_264, %select_n3A_273 : vector<16xi1>, vector<16xf32>
      %select_n3A_275 = arith.select %gt3A_272, %broadcast_in_dim3A_267, %select_n3A_263 : vector<16xi1>, vector<16xi32>
      %select_n3A_276 = arith.select %gt3A_271, %select_n3A_265, %select_n3A_275 : vector<16xi1>, vector<16xi32>
      %select_n3A_277 = arith.select %gt3A_271, %add3A_270, %select_n3A_264 : vector<16xi1>, vector<16xf32>
      %select_n3A_278 = arith.select %gt3A_271, %broadcast_in_dim3A_267, %select_n3A_265 : vector<16xi1>, vector<16xi32>
      %sub3A = arith.subf %select_n3A_274, %select_n3A_277 : vector<16xf32>
      %exp3A = math.exp %sub3A : vector<16xf32>
      %add3A_279 = arith.constant 1.000000e+00 : f32
      %add3A_280 = vector.broadcast %add3A_279 : f32 to vector<16xf32>
      %add3A_281 = arith.addf %add3A_280, %exp3A : vector<16xf32>
      %div3A = arith.constant 1.000000e+00 : f32
      %div3A_282 = vector.broadcast %div3A : f32 to vector<16xf32>
      %div3A_283 = arith.divf %div3A_282, %add3A_281 : vector<16xf32>
      %div3A_284 = arith.divf %exp3A, %add3A_281 : vector<16xf32>
      %broadcast_in_dim3A_285 = arith.constant 0.000000e+00 : f32
      %broadcast_in_dim3A_286 = vector.broadcast %broadcast_in_dim3A_285 : f32 to vector<16xf32>
      %broadcast_in_dim3A_287 = arith.constant 0 : i32
      %broadcast_in_dim3A_288 = vector.broadcast %broadcast_in_dim3A_287 : i32 to vector<16xi32>
      %eq3A = arith.cmpi eq, %select_n3A_278, %broadcast_in_dim3A_288 : vector<16xi32>
      %select_n3A_289 = arith.select %eq3A, %div3A_283, %broadcast_in_dim3A_286 : vector<16xi1>, vector<16xf32>
      %eq3A_290 = arith.cmpi eq, %select_n3A_276, %broadcast_in_dim3A_288 : vector<16xi32>
      %select_n3A_291 = arith.select %eq3A_290, %div3A_284, %broadcast_in_dim3A_286 : vector<16xi1>, vector<16xf32>
      %add3A_292 = arith.addf %select_n3A_289, %select_n3A_291 : vector<16xf32>
      %mul3A_293 = arith.constant 16 : i32
      %mul3A_294 = arith.muli %scan3A_58, %mul3A_293 : i32
      %swap3A = arith.constant 0 : i32
      %swap3A_295 = arith.index_cast %swap3A : i32 to index
      %swap3A_296 = arith.index_cast %mul3A_294 : i32 to index
      %swap3A_297 = tpu.vector_load %arg8[%swap3A_295, %swap3A_296] {strides = array<i32>} : memref<16x256xf32, #tpu.memory_space<vmem>>, vector<16xf32>,
      tpu.vector_store %arg8[%swap3A_295, %swap3A_296], %add3A_292 {strides = array<i32>} : memref<16x256xf32, #tpu.memory_space<vmem>>, vector<16xf32>,
      %broadcast_in_dim3A_298 = arith.constant 1 : i32
      %broadcast_in_dim3A_299 = vector.broadcast %broadcast_in_dim3A_298 : i32 to vector<16xi32>
      %eq3A_300 = arith.cmpi eq, %select_n3A_278, %broadcast_in_dim3A_299 : vector<16xi32>
      %select_n3A_301 = arith.select %eq3A_300, %div3A_283, %broadcast_in_dim3A_286 : vector<16xi1>, vector<16xf32>
      %eq3A_302 = arith.cmpi eq, %select_n3A_276, %broadcast_in_dim3A_299 : vector<16xi32>
      %select_n3A_303 = arith.select %eq3A_302, %div3A_284, %broadcast_in_dim3A_286 : vector<16xi1>, vector<16xf32>
      %add3A_304 = arith.addf %select_n3A_301, %select_n3A_303 : vector<16xf32>
      %mul3A_305 = arith.constant 16 : i32
      %mul3A_306 = arith.muli %scan3A_58, %mul3A_305 : i32
      %swap3A_307 = arith.constant 1 : i32
      %swap3A_308 = arith.index_cast %swap3A_307 : i32 to index
      %swap3A_309 = arith.index_cast %mul3A_306 : i32 to index
      %swap3A_310 = tpu.vector_load %arg8[%swap3A_308, %swap3A_309] {strides = array<i32>} : memref<16x256xf32, #tpu.memory_space<vmem>>, vector<16xf32>,
      tpu.vector_store %arg8[%swap3A_308, %swap3A_309], %add3A_304 {strides = array<i32>} : memref<16x256xf32, #tpu.memory_space<vmem>>, vector<16xf32>,
      %broadcast_in_dim3A_311 = arith.constant 2 : i32
      %broadcast_in_dim3A_312 = vector.broadcast %broadcast_in_dim3A_311 : i32 to vector<16xi32>
      %eq3A_313 = arith.cmpi eq, %select_n3A_278, %broadcast_in_dim3A_312 : vector<16xi32>
      %select_n3A_314 = arith.select %eq3A_313, %div3A_283, %broadcast_in_dim3A_286 : vector<16xi1>, vector<16xf32>
      %eq3A_315 = arith.cmpi eq, %select_n3A_276, %broadcast_in_dim3A_312 : vector<16xi32>
      %select_n3A_316 = arith.select %eq3A_315, %div3A_284, %broadcast_in_dim3A_286 : vector<16xi1>, vector<16xf32>
      %add3A_317 = arith.addf %select_n3A_314, %select_n3A_316 : vector<16xf32>
      %mul3A_318 = arith.constant 16 : i32
      %mul3A_319 = arith.muli %scan3A_58, %mul3A_318 : i32
      %swap3A_320 = arith.constant 2 : i32
      %swap3A_321 = arith.index_cast %swap3A_320 : i32 to index
      %swap3A_322 = arith.index_cast %mul3A_319 : i32 to index
      %swap3A_323 = tpu.vector_load %arg8[%swap3A_321, %swap3A_322] {strides = array<i32>} : memref<16x256xf32, #tpu.memory_space<vmem>>, vector<16xf32>,
      tpu.vector_store %arg8[%swap3A_321, %swap3A_322], %add3A_317 {strides = array<i32>} : memref<16x256xf32, #tpu.memory_space<vmem>>, vector<16xf32>,
      %broadcast_in_dim3A_324 = arith.constant 3 : i32
      %broadcast_in_dim3A_325 = vector.broadcast %broadcast_in_dim3A_324 : i32 to vector<16xi32>
      %eq3A_326 = arith.cmpi eq, %select_n3A_278, %broadcast_in_dim3A_325 : vector<16xi32>
      %select_n3A_327 = arith.select %eq3A_326, %div3A_283, %broadcast_in_dim3A_286 : vector<16xi1>, vector<16xf32>
      %eq3A_328 = arith.cmpi eq, %select_n3A_276, %broadcast_in_dim3A_325 : vector<16xi32>
      %select_n3A_329 = arith.select %eq3A_328, %div3A_284, %broadcast_in_dim3A_286 : vector<16xi1>, vector<16xf32>
      %add3A_330 = arith.addf %select_n3A_327, %select_n3A_329 : vector<16xf32>
      %mul3A_331 = arith.constant 16 : i32
      %mul3A_332 = arith.muli %scan3A_58, %mul3A_331 : i32
      %swap3A_333 = arith.constant 3 : i32
      %swap3A_334 = arith.index_cast %swap3A_333 : i32 to index
      %swap3A_335 = arith.index_cast %mul3A_332 : i32 to index
      %swap3A_336 = tpu.vector_load %arg8[%swap3A_334, %swap3A_335] {strides = array<i32>} : memref<16x256xf32, #tpu.memory_space<vmem>>, vector<16xf32>,
      tpu.vector_store %arg8[%swap3A_334, %swap3A_335], %add3A_330 {strides = array<i32>} : memref<16x256xf32, #tpu.memory_space<vmem>>, vector<16xf32>,
      %broadcast_in_dim3A_337 = arith.constant 4 : i32
      %broadcast_in_dim3A_338 = vector.broadcast %broadcast_in_dim3A_337 : i32 to vector<16xi32>
      %eq3A_339 = arith.cmpi eq, %select_n3A_278, %broadcast_in_dim3A_338 : vector<16xi32>
      %select_n3A_340 = arith.select %eq3A_339, %div3A_283, %broadcast_in_dim3A_286 : vector<16xi1>, vector<16xf32>
      %eq3A_341 = arith.cmpi eq, %select_n3A_276, %broadcast_in_dim3A_338 : vector<16xi32>
      %select_n3A_342 = arith.select %eq3A_341, %div3A_284, %broadcast_in_dim3A_286 : vector<16xi1>, vector<16xf32>
      %add3A_343 = arith.addf %select_n3A_340, %select_n3A_342 : vector<16xf32>
      %mul3A_344 = arith.constant 16 : i32
      %mul3A_345 = arith.muli %scan3A_58, %mul3A_344 : i32
      %swap3A_346 = arith.constant 4 : i32
      %swap3A_347 = arith.index_cast %swap3A_346 : i32 to index
      %swap3A_348 = arith.index_cast %mul3A_345 : i32 to index
      %swap3A_349 = tpu.vector_load %arg8[%swap3A_347, %swap3A_348] {strides = array<i32>} : memref<16x256xf32, #tpu.memory_space<vmem>>, vector<16xf32>,
      tpu.vector_store %arg8[%swap3A_347, %swap3A_348], %add3A_343 {strides = array<i32>} : memref<16x256xf32, #tpu.memory_space<vmem>>, vector<16xf32>,
      %broadcast_in_dim3A_350 = arith.constant 5 : i32
      %broadcast_in_dim3A_351 = vector.broadcast %broadcast_in_dim3A_350 : i32 to vector<16xi32>
      %eq3A_352 = arith.cmpi eq, %select_n3A_278, %broadcast_in_dim3A_351 : vector<16xi32>
      %select_n3A_353 = arith.select %eq3A_352, %div3A_283, %broadcast_in_dim3A_286 : vector<16xi1>, vector<16xf32>
      %eq3A_354 = arith.cmpi eq, %select_n3A_276, %broadcast_in_dim3A_351 : vector<16xi32>
      %select_n3A_355 = arith.select %eq3A_354, %div3A_284, %broadcast_in_dim3A_286 : vector<16xi1>, vector<16xf32>
      %add3A_356 = arith.addf %select_n3A_353, %select_n3A_355 : vector<16xf32>
      %mul3A_357 = arith.constant 16 : i32
      %mul3A_358 = arith.muli %scan3A_58, %mul3A_357 : i32
      %swap3A_359 = arith.constant 5 : i32
      %swap3A_360 = arith.index_cast %swap3A_359 : i32 to index
      %swap3A_361 = arith.index_cast %mul3A_358 : i32 to index
      %swap3A_362 = tpu.vector_load %arg8[%swap3A_360, %swap3A_361] {strides = array<i32>} : memref<16x256xf32, #tpu.memory_space<vmem>>, vector<16xf32>,
      tpu.vector_store %arg8[%swap3A_360, %swap3A_361], %add3A_356 {strides = array<i32>} : memref<16x256xf32, #tpu.memory_space<vmem>>, vector<16xf32>,
      %broadcast_in_dim3A_363 = arith.constant 6 : i32
      %broadcast_in_dim3A_364 = vector.broadcast %broadcast_in_dim3A_363 : i32 to vector<16xi32>
      %eq3A_365 = arith.cmpi eq, %select_n3A_278, %broadcast_in_dim3A_364 : vector<16xi32>
      %select_n3A_366 = arith.select %eq3A_365, %div3A_283, %broadcast_in_dim3A_286 : vector<16xi1>, vector<16xf32>
      %eq3A_367 = arith.cmpi eq, %select_n3A_276, %broadcast_in_dim3A_364 : vector<16xi32>
      %select_n3A_368 = arith.select %eq3A_367, %div3A_284, %broadcast_in_dim3A_286 : vector<16xi1>, vector<16xf32>
      %add3A_369 = arith.addf %select_n3A_366, %select_n3A_368 : vector<16xf32>
      %mul3A_370 = arith.constant 16 : i32
      %mul3A_371 = arith.muli %scan3A_58, %mul3A_370 : i32
      %swap3A_372 = arith.constant 6 : i32
      %swap3A_373 = arith.index_cast %swap3A_372 : i32 to index
      %swap3A_374 = arith.index_cast %mul3A_371 : i32 to index
      %swap3A_375 = tpu.vector_load %arg8[%swap3A_373, %swap3A_374] {strides = array<i32>} : memref<16x256xf32, #tpu.memory_space<vmem>>, vector<16xf32>,
      tpu.vector_store %arg8[%swap3A_373, %swap3A_374], %add3A_369 {strides = array<i32>} : memref<16x256xf32, #tpu.memory_space<vmem>>, vector<16xf32>,
      %broadcast_in_dim3A_376 = arith.constant 7 : i32
      %broadcast_in_dim3A_377 = vector.broadcast %broadcast_in_dim3A_376 : i32 to vector<16xi32>
      %eq3A_378 = arith.cmpi eq, %select_n3A_278, %broadcast_in_dim3A_377 : vector<16xi32>
      %select_n3A_379 = arith.select %eq3A_378, %div3A_283, %broadcast_in_dim3A_286 : vector<16xi1>, vector<16xf32>
      %eq3A_380 = arith.cmpi eq, %select_n3A_276, %broadcast_in_dim3A_377 : vector<16xi32>
      %select_n3A_381 = arith.select %eq3A_380, %div3A_284, %broadcast_in_dim3A_286 : vector<16xi1>, vector<16xf32>
      %add3A_382 = arith.addf %select_n3A_379, %select_n3A_381 : vector<16xf32>
      %mul3A_383 = arith.constant 16 : i32
      %mul3A_384 = arith.muli %scan3A_58, %mul3A_383 : i32
      %swap3A_385 = arith.constant 7 : i32
      %swap3A_386 = arith.index_cast %swap3A_385 : i32 to index
      %swap3A_387 = arith.index_cast %mul3A_384 : i32 to index
      %swap3A_388 = tpu.vector_load %arg8[%swap3A_386, %swap3A_387] {strides = array<i32>} : memref<16x256xf32, #tpu.memory_space<vmem>>, vector<16xf32>,
      tpu.vector_store %arg8[%swap3A_386, %swap3A_387], %add3A_382 {strides = array<i32>} : memref<16x256xf32, #tpu.memory_space<vmem>>, vector<16xf32>,
      %broadcast_in_dim3A_389 = arith.constant 8 : i32
      %broadcast_in_dim3A_390 = vector.broadcast %broadcast_in_dim3A_389 : i32 to vector<16xi32>
      %eq3A_391 = arith.cmpi eq, %select_n3A_278, %broadcast_in_dim3A_390 : vector<16xi32>
      %select_n3A_392 = arith.select %eq3A_391, %div3A_283, %broadcast_in_dim3A_286 : vector<16xi1>, vector<16xf32>
      %eq3A_393 = arith.cmpi eq, %select_n3A_276, %broadcast_in_dim3A_390 : vector<16xi32>
      %select_n3A_394 = arith.select %eq3A_393, %div3A_284, %broadcast_in_dim3A_286 : vector<16xi1>, vector<16xf32>
      %add3A_395 = arith.addf %select_n3A_392, %select_n3A_394 : vector<16xf32>
      %mul3A_396 = arith.constant 16 : i32
      %mul3A_397 = arith.muli %scan3A_58, %mul3A_396 : i32
      %swap3A_398 = arith.constant 8 : i32
      %swap3A_399 = arith.index_cast %swap3A_398 : i32 to index
      %swap3A_400 = arith.index_cast %mul3A_397 : i32 to index
      %swap3A_401 = tpu.vector_load %arg8[%swap3A_399, %swap3A_400] {strides = array<i32>} : memref<16x256xf32, #tpu.memory_space<vmem>>, vector<16xf32>,
      tpu.vector_store %arg8[%swap3A_399, %swap3A_400], %add3A_395 {strides = array<i32>} : memref<16x256xf32, #tpu.memory_space<vmem>>, vector<16xf32>,
      %broadcast_in_dim3A_402 = arith.constant 9 : i32
      %broadcast_in_dim3A_403 = vector.broadcast %broadcast_in_dim3A_402 : i32 to vector<16xi32>
      %eq3A_404 = arith.cmpi eq, %select_n3A_278, %broadcast_in_dim3A_403 : vector<16xi32>
      %select_n3A_405 = arith.select %eq3A_404, %div3A_283, %broadcast_in_dim3A_286 : vector<16xi1>, vector<16xf32>
      %eq3A_406 = arith.cmpi eq, %select_n3A_276, %broadcast_in_dim3A_403 : vector<16xi32>
      %select_n3A_407 = arith.select %eq3A_406, %div3A_284, %broadcast_in_dim3A_286 : vector<16xi1>, vector<16xf32>
      %add3A_408 = arith.addf %select_n3A_405, %select_n3A_407 : vector<16xf32>
      %mul3A_409 = arith.constant 16 : i32
      %mul3A_410 = arith.muli %scan3A_58, %mul3A_409 : i32
      %swap3A_411 = arith.constant 9 : i32
      %swap3A_412 = arith.index_cast %swap3A_411 : i32 to index
      %swap3A_413 = arith.index_cast %mul3A_410 : i32 to index
      %swap3A_414 = tpu.vector_load %arg8[%swap3A_412, %swap3A_413] {strides = array<i32>} : memref<16x256xf32, #tpu.memory_space<vmem>>, vector<16xf32>,
      tpu.vector_store %arg8[%swap3A_412, %swap3A_413], %add3A_408 {strides = array<i32>} : memref<16x256xf32, #tpu.memory_space<vmem>>, vector<16xf32>,
      %broadcast_in_dim3A_415 = arith.constant 10 : i32
      %broadcast_in_dim3A_416 = vector.broadcast %broadcast_in_dim3A_415 : i32 to vector<16xi32>
      %eq3A_417 = arith.cmpi eq, %select_n3A_278, %broadcast_in_dim3A_416 : vector<16xi32>
      %select_n3A_418 = arith.select %eq3A_417, %div3A_283, %broadcast_in_dim3A_286 : vector<16xi1>, vector<16xf32>
      %eq3A_419 = arith.cmpi eq, %select_n3A_276, %broadcast_in_dim3A_416 : vector<16xi32>
      %select_n3A_420 = arith.select %eq3A_419, %div3A_284, %broadcast_in_dim3A_286 : vector<16xi1>, vector<16xf32>
      %add3A_421 = arith.addf %select_n3A_418, %select_n3A_420 : vector<16xf32>
      %mul3A_422 = arith.constant 16 : i32
      %mul3A_423 = arith.muli %scan3A_58, %mul3A_422 : i32
      %swap3A_424 = arith.constant 10 : i32
      %swap3A_425 = arith.index_cast %swap3A_424 : i32 to index
      %swap3A_426 = arith.index_cast %mul3A_423 : i32 to index
      %swap3A_427 = tpu.vector_load %arg8[%swap3A_425, %swap3A_426] {strides = array<i32>} : memref<16x256xf32, #tpu.memory_space<vmem>>, vector<16xf32>,
      tpu.vector_store %arg8[%swap3A_425, %swap3A_426], %add3A_421 {strides = array<i32>} : memref<16x256xf32, #tpu.memory_space<vmem>>, vector<16xf32>,
      %broadcast_in_dim3A_428 = arith.constant 11 : i32
      %broadcast_in_dim3A_429 = vector.broadcast %broadcast_in_dim3A_428 : i32 to vector<16xi32>
      %eq3A_430 = arith.cmpi eq, %select_n3A_278, %broadcast_in_dim3A_429 : vector<16xi32>
      %select_n3A_431 = arith.select %eq3A_430, %div3A_283, %broadcast_in_dim3A_286 : vector<16xi1>, vector<16xf32>
      %eq3A_432 = arith.cmpi eq, %select_n3A_276, %broadcast_in_dim3A_429 : vector<16xi32>
      %select_n3A_433 = arith.select %eq3A_432, %div3A_284, %broadcast_in_dim3A_286 : vector<16xi1>, vector<16xf32>
      %add3A_434 = arith.addf %select_n3A_431, %select_n3A_433 : vector<16xf32>
      %mul3A_435 = arith.constant 16 : i32
      %mul3A_436 = arith.muli %scan3A_58, %mul3A_435 : i32
      %swap3A_437 = arith.constant 11 : i32
      %swap3A_438 = arith.index_cast %swap3A_437 : i32 to index
      %swap3A_439 = arith.index_cast %mul3A_436 : i32 to index
      %swap3A_440 = tpu.vector_load %arg8[%swap3A_438, %swap3A_439] {strides = array<i32>} : memref<16x256xf32, #tpu.memory_space<vmem>>, vector<16xf32>,
      tpu.vector_store %arg8[%swap3A_438, %swap3A_439], %add3A_434 {strides = array<i32>} : memref<16x256xf32, #tpu.memory_space<vmem>>, vector<16xf32>,
      %broadcast_in_dim3A_441 = arith.constant 12 : i32
      %broadcast_in_dim3A_442 = vector.broadcast %broadcast_in_dim3A_441 : i32 to vector<16xi32>
      %eq3A_443 = arith.cmpi eq, %select_n3A_278, %broadcast_in_dim3A_442 : vector<16xi32>
      %select_n3A_444 = arith.select %eq3A_443, %div3A_283, %broadcast_in_dim3A_286 : vector<16xi1>, vector<16xf32>
      %eq3A_445 = arith.cmpi eq, %select_n3A_276, %broadcast_in_dim3A_442 : vector<16xi32>
      %select_n3A_446 = arith.select %eq3A_445, %div3A_284, %broadcast_in_dim3A_286 : vector<16xi1>, vector<16xf32>
      %add3A_447 = arith.addf %select_n3A_444, %select_n3A_446 : vector<16xf32>
      %mul3A_448 = arith.constant 16 : i32
      %mul3A_449 = arith.muli %scan3A_58, %mul3A_448 : i32
      %swap3A_450 = arith.constant 12 : i32
      %swap3A_451 = arith.index_cast %swap3A_450 : i32 to index
      %swap3A_452 = arith.index_cast %mul3A_449 : i32 to index
      %swap3A_453 = tpu.vector_load %arg8[%swap3A_451, %swap3A_452] {strides = array<i32>} : memref<16x256xf32, #tpu.memory_space<vmem>>, vector<16xf32>,
      tpu.vector_store %arg8[%swap3A_451, %swap3A_452], %add3A_447 {strides = array<i32>} : memref<16x256xf32, #tpu.memory_space<vmem>>, vector<16xf32>,
      %broadcast_in_dim3A_454 = arith.constant 13 : i32
      %broadcast_in_dim3A_455 = vector.broadcast %broadcast_in_dim3A_454 : i32 to vector<16xi32>
      %eq3A_456 = arith.cmpi eq, %select_n3A_278, %broadcast_in_dim3A_455 : vector<16xi32>
      %select_n3A_457 = arith.select %eq3A_456, %div3A_283, %broadcast_in_dim3A_286 : vector<16xi1>, vector<16xf32>
      %eq3A_458 = arith.cmpi eq, %select_n3A_276, %broadcast_in_dim3A_455 : vector<16xi32>
      %select_n3A_459 = arith.select %eq3A_458, %div3A_284, %broadcast_in_dim3A_286 : vector<16xi1>, vector<16xf32>
      %add3A_460 = arith.addf %select_n3A_457, %select_n3A_459 : vector<16xf32>
      %mul3A_461 = arith.constant 16 : i32
      %mul3A_462 = arith.muli %scan3A_58, %mul3A_461 : i32
      %swap3A_463 = arith.constant 13 : i32
      %swap3A_464 = arith.index_cast %swap3A_463 : i32 to index
      %swap3A_465 = arith.index_cast %mul3A_462 : i32 to index
      %swap3A_466 = tpu.vector_load %arg8[%swap3A_464, %swap3A_465] {strides = array<i32>} : memref<16x256xf32, #tpu.memory_space<vmem>>, vector<16xf32>,
      tpu.vector_store %arg8[%swap3A_464, %swap3A_465], %add3A_460 {strides = array<i32>} : memref<16x256xf32, #tpu.memory_space<vmem>>, vector<16xf32>,
      %broadcast_in_dim3A_467 = arith.constant 14 : i32
      %broadcast_in_dim3A_468 = vector.broadcast %broadcast_in_dim3A_467 : i32 to vector<16xi32>
      %eq3A_469 = arith.cmpi eq, %select_n3A_278, %broadcast_in_dim3A_468 : vector<16xi32>
      %select_n3A_470 = arith.select %eq3A_469, %div3A_283, %broadcast_in_dim3A_286 : vector<16xi1>, vector<16xf32>
      %eq3A_471 = arith.cmpi eq, %select_n3A_276, %broadcast_in_dim3A_468 : vector<16xi32>
      %select_n3A_472 = arith.select %eq3A_471, %div3A_284, %broadcast_in_dim3A_286 : vector<16xi1>, vector<16xf32>
      %add3A_473 = arith.addf %select_n3A_470, %select_n3A_472 : vector<16xf32>
      %mul3A_474 = arith.constant 16 : i32
      %mul3A_475 = arith.muli %scan3A_58, %mul3A_474 : i32
      %swap3A_476 = arith.constant 14 : i32
      %swap3A_477 = arith.index_cast %swap3A_476 : i32 to index
      %swap3A_478 = arith.index_cast %mul3A_475 : i32 to index
      %swap3A_479 = tpu.vector_load %arg8[%swap3A_477, %swap3A_478] {strides = array<i32>} : memref<16x256xf32, #tpu.memory_space<vmem>>, vector<16xf32>,
      tpu.vector_store %arg8[%swap3A_477, %swap3A_478], %add3A_473 {strides = array<i32>} : memref<16x256xf32, #tpu.memory_space<vmem>>, vector<16xf32>,
      %broadcast_in_dim3A_480 = arith.constant 15 : i32
      %broadcast_in_dim3A_481 = vector.broadcast %broadcast_in_dim3A_480 : i32 to vector<16xi32>
      %eq3A_482 = arith.cmpi eq, %select_n3A_278, %broadcast_in_dim3A_481 : vector<16xi32>
      %select_n3A_483 = arith.select %eq3A_482, %div3A_283, %broadcast_in_dim3A_286 : vector<16xi1>, vector<16xf32>
      %eq3A_484 = arith.cmpi eq, %select_n3A_276, %broadcast_in_dim3A_481 : vector<16xi32>
      %select_n3A_485 = arith.select %eq3A_484, %div3A_284, %broadcast_in_dim3A_286 : vector<16xi1>, vector<16xf32>
      %add3A_486 = arith.addf %select_n3A_483, %select_n3A_485 : vector<16xf32>
      %mul3A_487 = arith.constant 16 : i32
      %mul3A_488 = arith.muli %scan3A_58, %mul3A_487 : i32
      %swap3A_489 = arith.constant 15 : i32
      %swap3A_490 = arith.index_cast %swap3A_489 : i32 to index
      %swap3A_491 = arith.index_cast %mul3A_488 : i32 to index
      %swap3A_492 = tpu.vector_load %arg8[%swap3A_490, %swap3A_491] {strides = array<i32>} : memref<16x256xf32, #tpu.memory_space<vmem>>, vector<16xf32>,
      tpu.vector_store %arg8[%swap3A_490, %swap3A_491], %add3A_486 {strides = array<i32>} : memref<16x256xf32, #tpu.memory_space<vmem>>, vector<16xf32>,
      %broadcast_in_dim3A_493 = arith.constant 0 : i32
      %broadcast_in_dim3A_494 = vector.broadcast %broadcast_in_dim3A_493 : i32 to vector<16xi32>
      tpu.vector_store_idx %arg9[%add3A_62, %broadcast_in_dim3A_494], %select_n3A_278 : memref<256x2xi32, #tpu.memory_space<vmem>>[vector<16xi32>, vector<16xi32>], vector<16xi32>,
      %broadcast_in_dim3A_495 = arith.constant 1 : i32
      %broadcast_in_dim3A_496 = vector.broadcast %broadcast_in_dim3A_495 : i32 to vector<16xi32>
      tpu.vector_store_idx %arg9[%add3A_62, %broadcast_in_dim3A_496], %select_n3A_276 : memref<256x2xi32, #tpu.memory_space<vmem>>[vector<16xi32>, vector<16xi32>], vector<16xi32>,
    }
    %scan3A_55 = arith.constant 16 : i32
    %add3A_56 = arith.constant 8192 : i32
    %add3A_57 = arith.addi %add3A_56, %mul3A_2 : i32
    "tpu.region"() ({
      %run_scoped3A = tpu.sem_alloc : memref<!tpu.dma_semaphore, #tpu.memory_space<semaphore_mem>>
      %dma_start3A = arith.constant 0 : i32
      %dma_start3A_58 = tpu.memref_slice %arg5[%dma_start3A, %add3A_57] : memref<16x16384xf32, #tpu.memory_space<hbm>> -> memref<16x256xf32, #tpu.memory_space<hbm>>
      %dma_start3A_59 = arith.constant 0 : i32
      %dma_start3A_60 = tpu.memref_slice %arg5[%dma_start3A_59, %add3A_57] : memref<16x16384xf32, #tpu.memory_space<hbm>> -> memref<16x256xf32, #tpu.memory_space<hbm>>
      tpu.enqueue_dma source(%arg8 : memref<16x256xf32, #tpu.memory_space<vmem>>) target(%dma_start3A_60 : memref<16x256xf32, #tpu.memory_space<hbm>>) target_semaphore(%run_scoped3A : memref<!tpu.dma_semaphore, #tpu.memory_space<semaphore_mem>>)
      %dma_wait3A = arith.constant 0 : i32
      %dma_wait3A_61 = tpu.memref_slice %arg5[%dma_wait3A, %add3A_57] : memref<16x16384xf32, #tpu.memory_space<hbm>> -> memref<16x256xf32, #tpu.memory_space<hbm>>
      %dma_wait3A_62 = arith.constant 0 : i32
      %dma_wait3A_63 = tpu.memref_slice %arg5[%dma_wait3A_62, %add3A_57] : memref<16x16384xf32, #tpu.memory_space<hbm>> -> memref<16x256xf32, #tpu.memory_space<hbm>>
      tpu.wait_dma2 semaphore(%run_scoped3A : memref<!tpu.dma_semaphore, #tpu.memory_space<semaphore_mem>>) src(%arg8 : memref<16x256xf32, #tpu.memory_space<vmem>>) dst(%dma_wait3A_63 : memref<16x256xf32, #tpu.memory_space<hbm>>)
      tpu.yield
    }) : () -> ()
    "tpu.region"() ({
      %run_scoped3A = tpu.sem_alloc : memref<!tpu.dma_semaphore, #tpu.memory_space<semaphore_mem>>
      %dma_start3A = arith.constant 0 : i32
      %dma_start3A_58 = tpu.memref_slice %arg6[%mul3A_2, %dma_start3A] : memref<8192x2xi32, #tpu.memory_space<hbm>> -> memref<256x2xi32, #tpu.memory_space<hbm>>
      %dma_start3A_59 = arith.constant 0 : i32
      %dma_start3A_60 = tpu.memref_slice %arg6[%mul3A_2, %dma_start3A_59] : memref<8192x2xi32, #tpu.memory_space<hbm>> -> memref<256x2xi32, #tpu.memory_space<hbm>>
      tpu.enqueue_dma source(%arg9 : memref<256x2xi32, #tpu.memory_space<vmem>>) target(%dma_start3A_60 : memref<256x2xi32, #tpu.memory_space<hbm>>) target_semaphore(%run_scoped3A : memref<!tpu.dma_semaphore, #tpu.memory_space<semaphore_mem>>)
      %dma_wait3A = arith.constant 0 : i32
      %dma_wait3A_61 = tpu.memref_slice %arg6[%mul3A_2, %dma_wait3A] : memref<8192x2xi32, #tpu.memory_space<hbm>> -> memref<256x2xi32, #tpu.memory_space<hbm>>
      %dma_wait3A_62 = arith.constant 0 : i32
      %dma_wait3A_63 = tpu.memref_slice %arg6[%mul3A_2, %dma_wait3A_62] : memref<8192x2xi32, #tpu.memory_space<hbm>> -> memref<256x2xi32, #tpu.memory_space<hbm>>
      tpu.wait_dma2 semaphore(%run_scoped3A : memref<!tpu.dma_semaphore, #tpu.memory_space<semaphore_mem>>) src(%arg9 : memref<256x2xi32, #tpu.memory_space<vmem>>) dst(%dma_wait3A_63 : memref<256x2xi32, #tpu.memory_space<hbm>>)
      tpu.yield
    }) : () -> ()
    return
  }
}

module attributes {stable_mosaic.version = 14 : i64} {
  func.func @_logits_body(%arg0: i32, %arg1: memref<1024x2048xf32, #tpu.memory_space<vmem>>, %arg2: memref<16x2048xf32, #tpu.memory_space<vmem>>, %arg3: memref<1x16xf32, #tpu.memory_space<vmem>>, %arg4: memref<1024x16xf32, #tpu.memory_space<vmem>>) attributes {dimension_semantics = [#tpu.dimension_semantics<arbitrary>], iteration_bounds = array<i64: 8>, scalar_prefetch = 0 : i64, scratch_operands = 0 : i64, tpu.core_type = #tpu.core_type<tc>, window_params = [{transform_indices = @transform_0, window_bounds = array<i64: 1024, 2048>}, {pipeline_mode = #tpu.pipeline_mode<synchronous>, transform_indices = @transform_1, window_bounds = array<i64: 16, 2048>}, {pipeline_mode = #tpu.pipeline_mode<synchronous>, transform_indices = @transform_2, window_bounds = array<i64: 1, 16>}, {transform_indices = @transform_3, window_bounds = array<i64: 1024, 16>}]} {
    %get3A = arith.constant 0 : index
    %get3A_0 = arith.constant 0 : index
    %get3A_1 = vector.load %arg1[%get3A, %get3A_0] : memref<1024x2048xf32, #tpu.memory_space<vmem>>, vector<1024x2048xf32>
    %get3A_2 = arith.constant 0 : index
    %get3A_3 = arith.constant 0 : index
    %get3A_4 = vector.load %arg2[%get3A_2, %get3A_3] : memref<16x2048xf32, #tpu.memory_space<vmem>>, vector<16x2048xf32>
    %dot_general3A = arith.constant dense<0.000000e+00> : vector<1024x16xf32>
    %dot_general3A_5 = tpu.matmul %get3A_1, %get3A_4, %dot_general3A {dimension_numbers = #tpu.dot_dimension_numbers<[1], [1], [0], [0], [0, 0, 1, 0], [], []>, transpose_lhs_hint = false} : vector<1024x2048xf32>, vector<16x2048xf32>, vector<1024x16xf32> -> vector<1024x16xf32>
    %get3A_6 = arith.constant 0 : index
    %get3A_7 = arith.constant 0 : index
    %get3A_8 = vector.load %arg3[%get3A_6, %get3A_7] : memref<1x16xf32, #tpu.memory_space<vmem>>, vector<1x16xf32>
    %add3A = vector.broadcast %get3A_8 : vector<1x16xf32> to vector<1024x16xf32>
    %add3A_9 = arith.addf %dot_general3A_5, %add3A : vector<1024x16xf32>
    %swap3A = arith.constant 0 : index
    %swap3A_10 = arith.constant 0 : index
    %swap3A_11 = vector.load %arg4[%swap3A, %swap3A_10] : memref<1024x16xf32, #tpu.memory_space<vmem>>, vector<1024x16xf32>
    tpu.vector_store %arg4[%swap3A, %swap3A_10], %add3A_9 {strides = array<i32>} : memref<1024x16xf32, #tpu.memory_space<vmem>>, vector<1024x16xf32>,
    return
  }
  func.func @transform_0(%arg0: i32) -> (i32, i32) {
    %add3A = arith.constant 0 : i32
    %add3A_0 = arith.addi %arg0, %add3A : i32
    %c0_i32 = arith.constant 0 : i32
    %c0_i32_1 = arith.constant 0 : i32
    return %add3A_0, %c0_i32 : i32, i32
  }
  func.func @transform_1(%arg0: i32) -> (i32, i32) {
    %c0_i32 = arith.constant 0 : i32
    %c0_i32_0 = arith.constant 0 : i32
    %c0_i32_1 = arith.constant 0 : i32
    return %c0_i32, %c0_i32_0 : i32, i32
  }
  func.func @transform_2(%arg0: i32) -> (i32, i32) {
    %c0_i32 = arith.constant 0 : i32
    %c0_i32_0 = arith.constant 0 : i32
    %c0_i32_1 = arith.constant 0 : i32
    return %c0_i32, %c0_i32_0 : i32, i32
  }
  func.func @transform_3(%arg0: i32) -> (i32, i32) {
    %c0_i32 = arith.constant 0 : i32
    %c0_i32_0 = arith.constant 0 : i32
    return %arg0, %c0_i32 : i32, i32
  }
}

module attributes {stable_mosaic.version = 14 : i64} {
  func.func @_logits_body(%arg0: i32, %arg1: memref<1024x2048xf32, #tpu.memory_space<vmem>>, %arg2: memref<16x2048xf32, #tpu.memory_space<vmem>>, %arg3: memref<1x16xf32, #tpu.memory_space<vmem>>, %arg4: memref<1024x16xf32, #tpu.memory_space<vmem>>) attributes {dimension_semantics = [#tpu.dimension_semantics<arbitrary>], iteration_bounds = array<i64: 8>, scalar_prefetch = 0 : i64, scratch_operands = 0 : i64, tpu.core_type = #tpu.core_type<tc>, window_params = [{transform_indices = @transform_0, window_bounds = array<i64: 1024, 2048>}, {pipeline_mode = #tpu.pipeline_mode<synchronous>, transform_indices = @transform_1, window_bounds = array<i64: 16, 2048>}, {pipeline_mode = #tpu.pipeline_mode<synchronous>, transform_indices = @transform_2, window_bounds = array<i64: 1, 16>}, {transform_indices = @transform_3, window_bounds = array<i64: 1024, 16>}]} {
    %get3A = arith.constant 0 : index
    %get3A_0 = arith.constant 0 : index
    %get3A_1 = vector.load %arg1[%get3A, %get3A_0] : memref<1024x2048xf32, #tpu.memory_space<vmem>>, vector<1024x2048xf32>
    %get3A_2 = arith.constant 0 : index
    %get3A_3 = arith.constant 0 : index
    %get3A_4 = vector.load %arg2[%get3A_2, %get3A_3] : memref<16x2048xf32, #tpu.memory_space<vmem>>, vector<16x2048xf32>
    %dot_general3A = arith.constant dense<0.000000e+00> : vector<1024x16xf32>
    %dot_general3A_5 = tpu.matmul %get3A_1, %get3A_4, %dot_general3A {dimension_numbers = #tpu.dot_dimension_numbers<[1], [1], [0], [0], [0, 0, 1, 0], [], []>, transpose_lhs_hint = false} : vector<1024x2048xf32>, vector<16x2048xf32>, vector<1024x16xf32> -> vector<1024x16xf32>
    %get3A_6 = arith.constant 0 : index
    %get3A_7 = arith.constant 0 : index
    %get3A_8 = vector.load %arg3[%get3A_6, %get3A_7] : memref<1x16xf32, #tpu.memory_space<vmem>>, vector<1x16xf32>
    %add3A = vector.broadcast %get3A_8 : vector<1x16xf32> to vector<1024x16xf32>
    %add3A_9 = arith.addf %dot_general3A_5, %add3A : vector<1024x16xf32>
    %swap3A = arith.constant 0 : index
    %swap3A_10 = arith.constant 0 : index
    %swap3A_11 = vector.load %arg4[%swap3A, %swap3A_10] : memref<1024x16xf32, #tpu.memory_space<vmem>>, vector<1024x16xf32>
    tpu.vector_store %arg4[%swap3A, %swap3A_10], %add3A_9 {strides = array<i32>} : memref<1024x16xf32, #tpu.memory_space<vmem>>, vector<1024x16xf32>,
    return
  }
  func.func @transform_0(%arg0: i32) -> (i32, i32) {
    %add3A = arith.constant 8 : i32
    %add3A_0 = arith.addi %arg0, %add3A : i32
    %c0_i32 = arith.constant 0 : i32
    %c0_i32_1 = arith.constant 0 : i32
    return %add3A_0, %c0_i32 : i32, i32
  }
  func.func @transform_1(%arg0: i32) -> (i32, i32) {
    %c0_i32 = arith.constant 0 : i32
    %c0_i32_0 = arith.constant 0 : i32
    %c0_i32_1 = arith.constant 0 : i32
    return %c0_i32, %c0_i32_0 : i32, i32
  }
  func.func @transform_2(%arg0: i32) -> (i32, i32) {
    %c0_i32 = arith.constant 0 : i32
    %c0_i32_0 = arith.constant 0 : i32
    %c0_i32_1 = arith.constant 0 : i32
    return %c0_i32, %c0_i32_0 : i32, i32
  }
  func.func @transform_3(%arg0: i32) -> (i32, i32) {
    %c0_i32 = arith.constant 0 : i32
    %c0_i32_0 = arith.constant 0 : i32
    return %arg0, %c0_i32 : i32, i32
  }
}

</mosaic_0001>

<sc_bundles>
// kernel: kernel.6.cloned.1.call-start
scs
__scs_entry_jumppad:
0x0: {  	(pc) =	sbr.rel $0x88, $3  }
0x1: {  	(tag) =	ssettag $0x0;
	lr =	simm.s32 $0x1  }
0x2: {  	[smem:$0x3F9C] =	sst lr;
	_ =	strace $0xD0000000  }
0x3: {  	_ = 	snop  }
0x4: {  	_ = 	snop  }
0x5: {  	_ = 	snop  }
0x6: {  	_ = 	snop  }
0x7: {  	_ = 	snop  }
__scs_overlays_trampoline_lowered:
0x8: {  	[smem:$0x3FAB] =	sst s0  }
0x9: {  	[smem:$0x3FAC] =	sst s1  }
0xa: {  	[smem:$0x3FAD] =	sst s2  }
0xb: {  	[smem:$0x3FAE] =	sst s3  }
0xc: {  	[smem:$0x3FAF] =	sst s4  }
0xd: {  	[smem:$0x3FB0] =	sst s5  }
0xe: {  	[smem:$0x3FB1] =	sst s6  }
0xf: {  	[smem:$0x3FB2] =	sst s7  }
0x10: {  	[smem:$0x3FB3] =	sst s8  }
0x11: {  	[smem:$0x3FB4] =	sst s9;
	s0 =	simm.s32 @!p0 $0x0  }
0x12: {  	s1 =	sld [smem:$0x3F9A];
	s0 =	simm.s32 @p0 $0x1  }
0x13: {  	[smem:$0x3FB5] =	sst s0;
	s0 =	simm.s32 @!p1 $0x0  }
0x14: {  	s2 =	sld [smem:$0x3F99];
	s0 =	simm.s32 @p1 $0x1  }
0x15: {  	[smem:$0x3FB6] =	sst s0;
	s0 =	simm.s32 @!p2 $0x0  }
0x16: {  	s3 =	sld [smem:$0x3FDB];
	s0 =	simm.s32 @p2 $0x1  }
0x17: {  	s4 =	simm.s32 $0x1BF5;
	[smem:$0x3FB8] =	sst s0  }
0x18: {  	s0 =	sld [smem:$0x3F9B];
	_ =	swait.ge [sflag:s4], $0x0  }
0x19: {  	s7 =	sld [smem:$0x3F9C]  }
0x1a: {  	s8 =	sadd.s32 $0xFFFFE003, lr  }
0x1b: {  	s9 =	sadd.s32 $0xFFFFFEF7, lr;
	s5 =	simm.s32 $0xFFFFFFFF;
	p2 =	slt.u32 s8, $0xFFFFF086  }
0x1c: {  	p1 =	slt.u32 s9, $0xF7A;
	s5 =	simm.s32 @!p2 $0x0  }
0x1d: {  	s5 =	simm.s32 @p1 $0x1;
	p0 =	seq.s32 s7, s2  }
0x1e: {  	s7 =	smul.u32 @!p0 $0xF7A, s2;
	p2 =	seq.s32 @!p0 s5, $0x0  }
0x1f: {  	s9 =	smul.u32 $0xF7A, s1;
	s8 =	simm.s32 @!p0 $0x1BF5;
	p2 =	por !p2, p0  }
0x20: {  	[sflag:s8] =	ssyncset.s32 @!p0 $0xFFFFF086;
	s6 =	sadd.s32 @!p0 s3, s7;
	s7 =	simm.s32 @!p0 $0x108  }
0x21: {  	s3 =	sadd.s32 s3, s9;
	s6 =	sadd.s32 @!p0 $0x88, s6;
	s7 =	simm.s32 @p2 $0x1082  }
0x22: {  	[simem:s7], [sflag:s8] =	dma.local @!p0 [hbm:s6], $0xF7A  }
0x23: {  	s9 =	sor.u32 $0xD0000000, s2;
	s6 =	simm.s32 $0x108;
	_ =	swait.ge @!p0 [sflag:s8], $0x0  }
0x24: {  	s3 =	sadd.s32 $0x88, s3;
	s6 =	simm.s32 @!p1 $0x1082;
	[sflag:s4] =	ssyncset.s32 $0xFFFFF086  }
0x25: {  	[simem:s6], [sflag:s4] =	dma.local [hbm:s3], $0xF7A  }
0x26: {  	[smem:$0x3F9C] =	sst s1;
	(tag) =	ssettag s2;
	_ =	strace s9  }
0x27: {  	s1 =	sld [smem:$0x3FAC]  }
0x28: {  	s2 =	sld [smem:$0x3FAD]  }
0x29: {  	s4 =	sld [smem:$0x3FAF]  }
0x2a: {  	p0 =	seq.s32 s5, $0x0;
	s5 =	sld [smem:$0x3FB0]  }
0x2b: {  	s6 =	sld [smem:$0x3FB1]  }
0x2c: {  	s7 =	sld [smem:$0x3FB2]  }
0x2d: {  	s3 =	simm.s32 $0x108;
	s8 =	sld [smem:$0x3FB3]  }
0x2e: {  	s3 =	simm.s32 @!p0 $0x1082;
	s9 =	sld [smem:$0x3FB4]  }
0x2f: {  	lr =	sadd.s32 s0, s3;
	s0 =	sld [smem:$0x3FAB]  }
0x30: {  	s3 =	sld [smem:$0x3FAE]  }
0x31: {  	[smem:$0x3FB7] =	sst s10  }
0x32: {  	s10 =	sld [smem:$0x3FB5];
	_ =	sdelay $0x3  }
0x33: {  	p0 =	seq.s32 s10, $0x1;
	s10 =	sld [smem:$0x3FB7];
	_ =	sdelay $0x3  }
0x34: {  	[smem:$0x3FB7] =	sst s10  }
0x35: {  	s10 =	sld [smem:$0x3FB6];
	_ =	sdelay $0x3  }
0x36: {  	p1 =	seq.s32 s10, $0x1;
	s10 =	sld [smem:$0x3FB7];
	_ =	sdelay $0x3  }
0x37: {  	[smem:$0x3FB7] =	sst s10  }
0x38: {  	s10 =	sld [smem:$0x3FB8]  }
0x39: {  	_ = 	snop;
	(pc) =	sbr.ind lr, $3  }
0x3a: {  	_ = 	snop  }
0x3b: {  	_ = 	snop  }
0x3c: {  	p2 =	seq.s32 s10, $0x1;
	s10 =	sld [smem:$0x3FB7]  }
0x3d: {  	_ =	shalt  }
0x3e: {  	_ =	shalt  }
0x3f: {  	_ =	shalt  }
0x40: {  	_ =	shalt  }
0x41: {  	_ =	shalt  }
0x42: {  	_ =	shalt  }
0x43: {  	_ =	shalt  }
0x44: {  	_ =	shalt  }
0x45: {  	_ =	shalt  }
0x46: {  	_ =	shalt  }
0x47: {  	_ =	shalt  }
0x48: {  	_ =	shalt  }
0x49: {  	_ =	shalt  }
0x4a: {  	_ =	shalt  }
0x4b: {  	_ =	shalt  }
0x4c: {  	_ =	shalt  }
0x4d: {  	_ =	shalt  }
0x4e: {  	_ =	shalt  }
0x4f: {  	_ =	shalt  }
0x50: {  	_ =	shalt  }
0x51: {  	_ =	shalt  }
0x52: {  	_ =	shalt  }
0x53: {  	_ =	shalt  }
0x54: {  	_ =	shalt  }
0x55: {  	_ =	shalt  }
0x56: {  	_ =	shalt  }
0x57: {  	_ =	shalt  }
0x58: {  	_ =	shalt  }
0x59: {  	_ =	shalt  }
0x5a: {  	_ =	shalt  }
0x5b: {  	_ =	shalt  }
0x5c: {  	_ =	shalt  }
0x5d: {  	_ =	shalt  }
0x5e: {  	_ =	shalt  }
0x5f: {  	_ =	shalt  }
0x60: {  	_ =	shalt  }
0x61: {  	_ =	shalt  }
0x62: {  	_ =	shalt  }
0x63: {  	_ =	shalt  }
0x64: {  	_ =	shalt  }
0x65: {  	_ =	shalt  }
0x66: {  	_ =	shalt  }
0x67: {  	_ =	shalt  }
0x68: {  	_ =	shalt  }
0x69: {  	_ =	shalt  }
0x6a: {  	_ =	shalt  }
0x6b: {  	_ =	shalt  }
0x6c: {  	_ =	shalt  }
0x6d: {  	_ =	shalt  }
0x6e: {  	_ =	shalt  }
0x6f: {  	_ =	shalt  }
0x70: {  	_ =	shalt  }
0x71: {  	_ =	shalt  }
0x72: {  	_ =	shalt  }
0x73: {  	_ =	shalt  }
0x74: {  	_ =	shalt  }
0x75: {  	_ =	shalt  }
0x76: {  	_ =	shalt  }
0x77: {  	_ =	shalt  }
0x78: {  	_ =	shalt  }
0x79: {  	_ =	shalt  }
0x7a: {  	_ =	shalt  }
0x7b: {  	_ =	shalt  }
0x7c: {  	_ =	shalt  }
0x7d: {  	_ =	shalt  }
0x7e: {  	_ =	shalt  }
0x7f: {  	_ =	shalt  }
0x80: {  	_ =	shalt  }
0x81: {  	_ =	shalt  }
0x82: {  	_ =	shalt  }
0x83: {  	_ =	shalt  }
0x84: {  	_ =	shalt  }
0x85: {  	_ =	shalt  }
0x86: {  	_ =	shalt  }
0x87: {  	_ =	shalt  }
.Lfunc_end0:
.L_simem_size_0:
called_computation_lowered:
.L_overlay_start_0:
0x88: {  	s2 =	sld [smem:$0x3FD9]  }
0x89: {  	s3 =	sld [smem:$0x3FFE];
	_ =	sdelay $0x1  }
0x8a: {  	s1 =	srdreg.scid  }
0x8b: {  	s0 =	sand.u32 $0x1, s1  }
0x8c: {  	s14 =	sshll.u32 s0, $0xA;
	s2 =	sadd.s32 s3, s2  }
0x8d: {  	s2 =	sadd.s32 s2, s14  }
0x8e: {  	[smem:$0x3FC3] =	sst s2  }
0x8f: {  	_ = 	snop  }
0x90: {  	s2 =	sld [smem:$0x3FD0];
	_ =	sdelay $0x2  }
0x91: {  	s15 =	simm.s32 $0xB;
	s4 =	simm.s32 $0x10  }
0x92: {  	[smem:s4], [sflag:s15] =	dma.local [hbm:s2], $0x1  }
0x93: {  	_ =	swait.eq [sflag:s15], $0x1  }
0x94: {  	[sflag:s15] =	ssyncset.done $0x0  }
0x95: {  	[sflag:s15] =	ssyncadd.s32 $0xFFFFFFFF  }
0x96: {  	s16 =	sld [smem:$0x11];
	(tm) =	ssettm $0x1  }
0x97: {  	s17 =	sld [smem:$0x3FFB];
	_ =	sdelay $0x3  }
0x98: {  	_ =	strace s17  }
0x99: {  	s3 =	sld [smem:$0x3FFC];
	_ =	sdelay $0x3  }
0x9a: {  	_ =	strace s3  }
0x9b: {  	s3 =	sld [smem:$0x3FFD];
	_ =	sdelay $0x3  }
0x9c: {  	_ =	strace s3  }
0x9d: {  	_ =	strace $0x8FFFFFFF  }
0x9e: {  	s18 =	sld [smem:$0x3FDB];
	_ =	sdelay $0x1  }
0x9f: {  	s19 =	simm.s32 $_scs_section_size  }
0xa0: {  	s5 =	simm.s32 $_size__tile_overlayer_lowered;
	s6 =	simm.s32 $_tile_overlayer_lowered  }
0xa1: {  	s22 =	simm.s32 $0x1BFF;
	s21 =	sshll.u32 s6, $0x1;
	s3 =	sadd.s32 s19, s18  }
0xa2: {  	s7 =	simm.s32 $0x0;
	s20 =	sshll.u32 s5, $0x1;
	s5 =	sadd.s32 s21, s3  }
0xa3: {  	[timem:s7], [sflag:s22] =	dma.local [hbm:s5], s20  }
0xa4: {  	_ =	swait.ge [sflag:s22], s20  }
0xa5: {  	s4 =	ssub.s32 $0x0, s20;
	[sflag:s22] =	ssyncset.done $0x0  }
0xa6: {  	[sflag:s22] =	ssyncadd.s32 s4;
	_ =	sdelay $0x1  }
0xa7: {  	s23 =	simm.s32 $0x1B8B  }
0xa8: {  	_ =	swait.ge [sflag:s23], $0x1  }
0xa9: {  	[sflag:s23] =	ssyncset.done $0x0  }
0xaa: {  	s25 =	simm.s32 $0x1B8E;
	s24 =	sld [smem:$0x3FFE];
	[sflag:s23] =	ssyncadd.s32 $0xFFFFFFFF  }
0xab: {  	s26 =	simm.s32 $execute0_lowered;
	[smem:$0x3FD2] =	sst s25  }
0xac: {  	s5 =	sshll.u32 s26, $0x1;
	_ =	strace $0x80000046;
	[dreg:$0x1] =	wrdreg $0xFFFFFFFF  }
0xad: {  	s28 =	simm.s32 $_size_execute0_lowered;
	s3 =	sadd.s32 s3, s5;
	[dreg:$0x0] =	wrdreg $0x0  }
0xae: {  	s5 =	sshll.u32 s28, $0x1;
	[dreg:$0x2] =	wrdreg s3  }
0xaf: {  	[dreg:$0x3] =	wrdreg s5  }
0xb0: {  	[dreg:$0x4] =	wrdreg $0xC0  }
0xb1: {  	_ =	task [dreg:s7], $0x5FFFF  }
0xb2: {  	[dreg:$0x1] =	wrdreg $0xFFFFFFFF  }
0xb3: {  	[dreg:$0x0] =	wrdreg $0x60  }
0xb4: {  	[dreg:$0x2] =	wrdreg s24  }
0xb5: {  	[dreg:$0x3] =	wrdreg s16  }
0xb6: {  	[dreg:$0x4] =	wrdreg $0x9  }
0xb7: {  	_ =	task.clear_ibuf [dreg:s7], $0x5FFFF;
	_ =	strace $0x90000046  }
0xb8: {  	s29 =	simm.s32 $0x9;
	_ =	strace $0x80000048  }
0xb9: {  	_ =	swait.ge [sflag:s29], $0x1  }
0xba: {  	[sflag:s29] =	ssyncadd.s32 $0xFFFFFFFF  }
0xbb: {  	_ =	strace $0x90000048  }
0xbc: {  	_ =	sfence  }
0xbd: {  	s30 =	sld [smem:$0x0];
	_ =	sdelay $0x2  }
0xbe: {  	s31 =	sshll.u32 s1, $0xD;
	s1 =	sshrl.u32 s1, $0x2  }
0xbf: {  	s3 =	sand.u32 $0x4000, s31;
	s1 =	sadd.s32 s1, s30  }
0xc0: {  	s0 =	sor.u32 s3, s0;
	s1 =	sshll.u32 s1, $0x11  }
0xc1: {  	s0 =	sor.u32 s1, s0  }
0xc2: {  	s0 =	sadd.s32 $0x8F2B, s0  }
0xc3: {  	[sflag:s0] =	ssyncadd.remote.s32 $0x1  }
0xc4: {  	_ =	sfence.sel $0xFFFF  }
0xc5: {  	[dreg:$0x0] =	wrdreg $0xFFFFFFFF;
	(pc) =	sbr.abs _section_cstart, $3  }
0xc6: {  	[dreg:$0x1] =	wrdreg $0xFFFFFFFF  }
0xc7: {  	_ =	task.clear_ibuf [dreg:s7], $0x2FFFF;
	_ =	strace $0x9FFFFFFF  }
0xc8: {  	(tm) =	ssettm $0x7FFFFFFF  }
0xc9: {  	_ =	shalt  }
tec
execute0_lowered:
.L_overlay_start_1:
0x0: {  	(tag) =	ssettag $0x1  }
0x1: {  	s4 =	rddreg [dreg:$0x0]  }
0x2: {  	s2 =	rddreg [dreg:$0x1]  }
0x3: {  	s0 =	rddreg [dreg:$0x2];
	s5 =	srdreg.scid  }
0x4: {  	s1 =	stileid.u32;
	s3 =	simm.s32 $0x0;
	s9 =	simm.s32 $0x1  }
0x5: {  	v0 =	vlaneseq.u32;
	s10 =	simm.s32 $0x11000;
	s11 =	simm.s32 $0x11800;
	s12 =	simm.s32 $0x9000  }
0x6: {  	s13 =	simm.s32 $0x800;
	s14 =	simm.s32 $0x20000;
	s15 =	simm.s32 $0x8000;
	v1 =	vmul.u32 $0x80, v0  }
0x7: {  	v17 =	vimm.s32 $0x0;
	s5 =	sand.u32 $0x1, s5;
	s6 =	sshll.u32 s1, $0x1;
	[smem:$0x7FF] =	sst s3  }
0x8: {  	s16 =	simm.s32 $0x0;
	s6 =	sor.u32 s5, s6;
	_ =	strace $0x80000047;
	v2 =	vor.u32 $0x1, v1;
	v3 =	vor.u32 $0x2, v1;
	v4 =	vor.u32 $0x3, v1  }
0x9: {  	s5 =	ssub.s32 $0x2, s5;
	s7 =	sshll.u32 s6, $0xC;
	s6 =	sshll.u32 s6, $0x8;
	v5 =	vor.u32 $0x4, v1;
	v6 =	vor.u32 $0x5, v1;
	v7 =	vor.u32 $0x6, v1  }
0xa: {  	s8 =	sshrl.u32 s5, $0x1;
	v8 =	vor.u32 $0x7, v1;
	v9 =	vor.u32 $0x8, v1;
	v10 =	vor.u32 $0x9, v1;
	s7 =	sadd.s32 s7, s4;
	s6 =	sadd.s32 s6, s4  }
0xb: {  	v11 =	vor.u32 $0xA, v1;
	v12 =	vor.u32 $0xB, v1;
	v13 =	vor.u32 $0xC, v1;
	s8 =	ssub.s32 s5, s8;
	s4 =	sadd.s32 $0x4000, s7;
	s5 =	sadd.s32 $0x2000, s6  }
0xc: {  	v14 =	vor.u32 $0xD, v1;
	v15 =	vor.u32 $0xE, v1;
	v16 =	vor.u32 $0xF, v1;
	s6 =	sadd.s32 $0x44000, s6;
	s7 =	sadd.s32 $0x24000, s7;
	s8 =	smax.u32 s8, $0x1  }
.LBB2_1:
0xd: {  	[tilespmem:s3], [sflag:$0x1] =	stream.linear.gather [hbm4b:s4+s3], $0x8000, $0x38;
	[tilespmem:$0x12000] =	vst v63  }
0xe: {  	_ =	swait.ge [sflag:s9], $0x8000  }
0xf: {  	[sflag:s9] =	ssyncset.done $0x0  }
0x10: {  	[sflag:s9] =	ssyncadd.s32 $0xFFFF8000  }
0x11: {  	[tilespmem:s10], [sflag:$0x1] =	stream.linear.gather [hbm4b:s5+s3], $0x800, $0x38;
	[tilespmem:$0x12000] =	vst v63  }
0x12: {  	_ =	swait.ge [sflag:s9], $0x800  }
0x13: {  	[sflag:s9] =	ssyncset.done $0x0  }
0x14: {  	[sflag:s9] =	ssyncadd.s32 $0xFFFFF800  }
0x15: {  	[tilespmem:s11], [sflag:$0x1] =	stream.linear.gather [hbm4b:s2+s3], $0x800, $0x38;
	[tilespmem:$0x12000] =	vst v63  }
0x16: {  	_ =	swait.ge [sflag:s9], $0x800  }
0x17: {  	[sflag:s9] =	ssyncset.done $0x0  }
0x18: {  	[sflag:s9] =	ssyncadd.s32 $0xFFFFF800  }
0x19: {  	v18 =	vld.idx.msk [tilespmem:v1+s11+$0x0], $0xffff  }
0x1a: {  	v19 =	vld.idx.msk [tilespmem:v2+s11+$0x0], $0xffff  }
0x1b: {  	v20 =	vld.idx.msk [tilespmem:v3+s11+$0x0], $0xffff  }
0x1c: {  	v21 =	vld.idx.msk [tilespmem:v4+s11+$0x0], $0xffff  }
0x1d: {  	v22 =	vld.idx.msk [tilespmem:v5+s11+$0x0], $0xffff  }
0x1e: {  	v23 =	vld.idx.msk [tilespmem:v6+s11+$0x0], $0xffff  }
0x1f: {  	v24 =	vld.idx.msk [tilespmem:v7+s11+$0x0], $0xffff  }
0x20: {  	v25 =	vld.idx.msk [tilespmem:v8+s11+$0x0], $0xffff  }
0x21: {  	v26 =	vld.idx.msk [tilespmem:v9+s11+$0x0], $0xffff  }
0x22: {  	v27 =	vld.idx.msk [tilespmem:v10+s11+$0x0], $0xffff  }
0x23: {  	v28 =	vld.idx.msk [tilespmem:v11+s11+$0x0], $0xffff  }
0x24: {  	v29 =	vld.idx.msk [tilespmem:v12+s11+$0x0], $0xffff  }
0x25: {  	v30 =	vld.idx.msk [tilespmem:v13+s11+$0x0], $0xffff  }
0x26: {  	v31 =	vld.idx.msk [tilespmem:v14+s11+$0x0], $0xffff  }
0x27: {  	v32 =	vld.idx.msk [tilespmem:v15+s11+$0x0], $0xffff  }
0x28: {  	s17 =	simm.s32 $0x0;
	s18 =	simm.s32 $0x0;
	s19 =	simm.s32 $0x0;
	v33 =	vld.idx.msk [tilespmem:v16+s11+$0x0], $0xffff  }
.LBB2_2:
0x29: {  	s20 =	sshll.u32 s19, $0x7;
	v34 =	vmov s17  }
0x2a: {  	v36 =	vor.u32 s20, v0;
	v34 =	vshll.u32 v34, $0x7  }
0x2b: {  	v35 =	vor.u32 v1, v34  }
0x2c: {  	v34 =	vor.u32 $0x1, v35  }
0x2d: {  	v38 =	vor.u32 $0x2, v35  }
0x2e: {  	v41 =	vor.u32 $0x3, v35  }
0x2f: {  	v36 =	vld.idx.msk [tilespmem:v36+s10+$0x0], $0xffff  }
0x30: {  	v37 =	vld.idx.msk [tilespmem:v35+s3+$0x0], $0xffff  }
0x31: {  	v43 =	vimm.s32 $0x0;
	v44 =	vimm.s32 $0x0;
	v50 =	vimm.s32 $0x0;
	v39 =	vld.idx.msk [tilespmem:v34+s3+$0x0], $0xffff  }
0x32: {  	v45 =	vimm.s32 $0x0;
	v53 =	vimm.s32 $0x0;
	v56 =	vimm.s32 $0x0;
	v38 =	vld.idx.msk [tilespmem:v38+s3+$0x0], $0xffff  }
0x33: {  	v59 =	vimm.s32 $0x0;
	v47 =	vimm.s32 $0x0;
	v61 =	vor.u32 $0x4, v35;
	v41 =	vld.idx.msk [tilespmem:v41+s3+$0x0], $0xffff  }
0x34: {  	v62 =	vor.u32 $0x5, v35;
	v51 =	vor.u32 $0x6, v35;
	v40 =	vmul.f32 v36, v18  }
0x35: {  	v54 =	vor.u32 $0x7, v35;
	v60 =	vmul.f32 v36, v19;
	v42 =	vmul.f32 v36, v20  }
0x36: {  	v57 =	vor.u32 $0x8, v35;
	v49 =	vmul.f32 v36, v21;
	v52 =	vmul.f32 v36, v22  }
0x37: {  	v55 =	vmul.f32 v36, v23;
	v37 =	vadd.f32 v40, v37;
	v39 =	vadd.f32 v39, v60  }
0x38: {  	v58 =	vmul.f32 v36, v24;
	v38 =	vadd.f32 v38, v42;
	v40 =	vld.idx.msk [tilespmem:v61+s3+$0x0], $0xffff;
	v41 =	vadd.f32 v41, v49  }
0x39: {  	v60 =	vor.u32 $0x9, v35;
	v61 =	vmul.f32 v36, v25;
	vm0 =	vgt.f32 v37, $-Inf  }
0x3a: {  	vm13 =	vlt.f32 v39, $-Inf;
	vm1 =	vgt.f32 v39, $-Inf;
	v37 =	vnsel vm0, $0xFF800000, v37  }
0x3b: {  	v49 =	vimm.s32 $0x0;
	vm9 =	vmor vm1, vm13;
	vm2 =	vgt.f32 v39, v37  }
0x3c: {  	v63 =	vnsel vm9, $0xFF800000, v39;
	v43 =	vsel vm2, $0xFFFFFFFF, v43;
	vm14 =	vmneg vm2  }
0x3d: {  	v40 =	vadd.f32 v40, v52;
	v52 =	vimm.s32 $0x0;
	v48 =	vsel vm14, v63, v37  }
0x3e: {  	v44 =	vsel vm14, $0xFFFFFFFF, v44;
	v37 =	vsel vm14, v37, v39;
	vm15 =	vgt.f32 v38, v48  }
0x3f: {  	[tilespmem:$0x1FF20] =	vst v43;
	v43 =	vld.idx.msk [tilespmem:v62+s3+$0x0], $0xffff;
	v62 =	vimm.s32 $0x0;
	vm0 =	vgt.f32 v38, v37;
	v42 =	vsel vm15, v38, v48  }
0x40: {  	v63 =	vor.u32 $0xA, v35;
	v39 =	vsel vm15, $0xFFFFFFFF, v50;
	v42 =	vsel vm0, v37, v42  }
0x41: {  	v48 =	vmul.f32 v36, v26;
	v37 =	vsel vm0, v38, v37;
	vm4 =	vgt.f32 v41, v42  }
0x42: {  	v45 =	vsel vm0, $0xFFFFFFFF, v45;
	[tilespmem:$0x1FF30] =	vst v39;
	v39 =	vld.idx.msk [tilespmem:v51+s3+$0x0], $0xffff;
	vm15 =	vgt.f32 v41, v37;
	v42 =	vsel vm4, v41, v42  }
0x43: {  	v51 =	vmul.f32 v36, v27;
	v38 =	vsel vm4, $0xFFFFFFFF, v53;
	v42 =	vsel vm15, v37, v42  }
0x44: {  	v43 =	vadd.f32 v43, v55;
	v37 =	vsel vm15, v41, v37;
	vm5 =	vgt.f32 v40, v42  }
0x45: {  	v50 =	vor.u32 $0xB, v35;
	[tilespmem:$0x1FF50] =	vst v38;
	v38 =	vld.idx.msk [tilespmem:v54+s3+$0x0], $0xffff;
	vm14 =	vgt.f32 v40, v37;
	v42 =	vsel vm5, v40, v42  }
0x46: {  	v53 =	vor.u32 $0xC, v35;
	v41 =	vsel vm5, $0xFFFFFFFF, v56;
	v42 =	vsel vm14, v37, v42  }
0x47: {  	v39 =	vadd.f32 v39, v58;
	v37 =	vsel vm14, v40, v37;
	vm6 =	vgt.f32 v43, v42  }
0x48: {  	v55 =	vor.u32 $0xD, v35;
	[tilespmem:$0x1FF60] =	vst v41;
	v41 =	vld.idx.msk [tilespmem:v57+s3+$0x0], $0xffff;
	vm10 =	vgt.f32 v43, v37;
	v42 =	vsel vm6, v43, v42  }
0x49: {  	v54 =	vmul.f32 v36, v28;
	v40 =	vsel vm6, $0xFFFFFFFF, v59;
	v42 =	vsel vm10, v37, v42  }
0x4a: {  	v38 =	vadd.f32 v38, v61;
	v37 =	vsel vm10, v43, v37;
	vm7 =	vgt.f32 v39, v42  }
0x4b: {  	v56 =	vimm.s32 $0x0;
	[tilespmem:$0x1FF70] =	vst v40;
	v40 =	vld.idx.msk [tilespmem:v60+s3+$0x0], $0xffff;
	vm11 =	vgt.f32 v39, v37;
	v42 =	vsel vm7, v39, v42  }
0x4c: {  	v57 =	vmul.f32 v36, v29;
	v43 =	vsel vm7, $0xFFFFFFFF, v62;
	v42 =	vsel vm11, v37, v42  }
0x4d: {  	v41 =	vadd.f32 v41, v48;
	v37 =	vsel vm11, v39, v37;
	vm8 =	vgt.f32 v38, v42  }
0x4e: {  	v58 =	vor.u32 $0xE, v35;
	[tilespmem:$0x1FF80] =	vst v43;
	v43 =	vld.idx.msk [tilespmem:v63+s3+$0x0], $0xffff;
	vm13 =	vgt.f32 v38, v37;
	v42 =	vsel vm8, v38, v42  }
0x4f: {  	v59 =	vimm.s32 $0x0;
	v39 =	vsel vm8, $0xFFFFFFFF, v49;
	v42 =	vsel vm13, v37, v42  }
0x50: {  	v40 =	vadd.f32 v40, v51;
	v37 =	vsel vm13, v38, v37;
	vm4 =	vgt.f32 v41, v42  }
0x51: {  	v61 =	vor.u32 $0xF, v35;
	[tilespmem:$0x1FF90] =	vst v39;
	v39 =	vld.idx.msk [tilespmem:v50+s3+$0x0], $0xffff;
	vm8 =	vgt.f32 v41, v37;
	v42 =	vsel vm4, v41, v42  }
0x52: {  	v60 =	vmul.f32 v36, v30;
	v38 =	vsel vm4, $0xFFFFFFFF, v52;
	v42 =	vsel vm8, v37, v42  }
0x53: {  	[tilespmem:$0x1FF10] =	vst v44;
	v43 =	vadd.f32 v43, v54;
	v37 =	vsel vm8, v41, v37;
	vm5 =	vgt.f32 v40, v42  }
0x54: {  	v62 =	vimm.s32 $0x0;
	[tilespmem:$0x1FFA0] =	vst v38;
	v38 =	vld.idx.msk [tilespmem:v53+s3+$0x0], $0xffff;
	vm7 =	vgt.f32 v40, v37;
	v42 =	vsel vm5, v40, v42  }
0x55: {  	[tilespmem:$0x1FF40] =	vst v45;
	v63 =	vmul.f32 v36, v31;
	v41 =	vld.idx.msk [tilespmem:v55+s3+$0x0], $0xffff;
	v45 =	vsel vm5, $0xFFFFFFFF, v56;
	v42 =	vsel vm7, v37, v42  }
0x56: {  	v53 =	vld [tilespmem:$0x1FF10];
	v39 =	vadd.f32 v39, v57;
	v37 =	vsel vm7, v40, v37;
	vm6 =	vgt.f32 v43, v42  }
0x57: {  	[tilespmem:$0x1FFB0] =	vst v45;
	v45 =	vsel vm6, $0xFFFFFFFF, v59;
	v42 =	vsel vm6, v43, v42;
	vm6 =	vgt.f32 v43, v37  }
0x58: {  	v49 =	vmul.f32 v36, v32;
	v36 =	vmul.f32 v36, v33;
	v42 =	vsel vm6, v37, v42  }
0x59: {  	v50 =	vimm.s32 $0x0;
	v37 =	vsel vm6, v43, v37;
	vm12 =	vgt.f32 v39, v42  }
0x5a: {  	v40 =	vld.idx.msk [tilespmem:v58+s3+$0x0], $0xffff;
	v38 =	vadd.f32 v38, v60;
	vm5 =	vgt.f32 v39, v37;
	v42 =	vsel vm12, v39, v42  }
0x5b: {  	v55 =	vld [tilespmem:$0x1FF20];
	v41 =	vadd.f32 v41, v63;
	vm0 =	vnez.u8 v53;
	v42 =	vsel vm5, v37, v42  }
0x5c: {  	v43 =	vld.idx.msk [tilespmem:v61+s3+$0x0], $0xffff;
	vm0 =	vmand vm9, vm0;
	v37 =	vsel vm5, v39, v37;
	vm4 =	vgt.f32 v38, v42  }
0x5d: {  	[tilespmem:$0x1FFC0] =	vst v45;
	v39 =	vsel vm4, $0xFFFFFFFF, v47;
	v48 =	vsel vm4, v38, v42;
	vm4 =	vgt.f32 v38, v37  }
0x5e: {  	v56 =	vld [tilespmem:$0x1FF30];
	v54 =	vsel vm0, $0x1, v17;
	v45 =	vsel vm12, $0xFFFFFFFF, v62;
	[tilespmem:$0x1FFE0] =	vst v39;
	v39 =	vsel vm4, v37, v48  }
0x5f: {  	v52 =	vadd.f32 v40, v49;
	v37 =	vsel vm4, v38, v37;
	vm12 =	vgt.f32 v41, v39  }
0x60: {  	v57 =	vld [tilespmem:$0x1FF40];
	vm3 =	vgt.f32 v41, v37;
	v38 =	vsel vm12, $0xFFFFFFFF, v50;
	v51 =	vsel vm12, v41, v39  }
0x61: {  	vm0 =	vnez.u8 v55;
	v36 =	vadd.f32 v43, v36;
	[tilespmem:$0x1FFF0] =	vst v38;
	v38 =	vsel vm3, v37, v51  }
0x62: {  	v59 =	vld [tilespmem:$0x1FF50];
	v39 =	vsel vm0, $0x1, v17;
	v37 =	vsel vm3, v41, v37;
	vm12 =	vgt.f32 v52, v38  }
0x63: {  	vm0 =	vnez.u8 v56;
	vm2 =	vgt.f32 v52, v37;
	v38 =	vsel vm12, v52, v38  }
0x64: {  	v60 =	vld [tilespmem:$0x1FF60];
	v40 =	vsel vm0, $0x2, v54;
	v38 =	vsel vm2, v37, v38;
	v37 =	vsel vm2, v52, v37  }
0x65: {  	vm0 =	vnez.u8 v57;
	vm9 =	vgt.f32 v36, v38;
	vm1 =	vgt.f32 v36, v37  }
0x66: {  	v63 =	vld [tilespmem:$0x1FF70];
	v58 =	vsel vm0, $0x2, v39;
	v38 =	vsel vm9, v36, v38;
	v36 =	vsel vm1, v36, v37  }
0x67: {  	v38 =	vsel vm1, v37, v38;
	v37 =	vsel vm0, v39, v40;
	vm0 =	vnez.u8 v59  }
0x68: {  	v40 =	vld [tilespmem:$0x1FF80];
	v36 =	vsub.f32 v38, v36;
	v37 =	vsel vm0, $0x3, v37  }
0x69: {  	v38 =	vsel vm15, $0x3, v58;
	v37 =	vsel vm15, v58, v37;
	vm15 =	vnez.u8 v60  }
0x6a: {  	v41 =	vld [tilespmem:$0x1FF90];
	v36 =	vmul.f32 $1.442695020e+00, v36;
	v37 =	vsel vm15, $0x4, v37  }
0x6b: {  	v62 =	vsel vm14, $0x4, v38;
	v61 =	vsel vm14, v38, v37;
	vm14 =	vnez.u8 v63  }
0x6c: {  	v42 =	vld [tilespmem:$0x1FFA0];
	(erf) = vpow2.f32 v36;
	v36 =	vsel vm14, $0x5, v61  }
0x6d: {  	vm15 =	vnez.u8 v40;
	v36 =	vsel vm10, v62, v36  }
0x6e: {  	v43 =	vld [tilespmem:$0x1FFB0];
	v37 =	vsel vm10, $0x5, v62;
	v36 =	vsel vm15, $0x6, v36  }
0x6f: {  	vm10 =	vnez.u8 v41;
	v36 =	vsel vm11, v37, v36  }
0x70: {  	v46 =	vld [tilespmem:$0x1FFC0];
	v37 =	vsel vm11, $0x6, v37;
	v36 =	vsel vm10, $0x7, v36  }
0x71: {  	[tilespmem:$0x1FFD0] =	vst v45;
	vm11 =	vnez.u8 v42;
	v36 =	vsel vm13, v37, v36  }
0x72: {  	v47 =	vld [tilespmem:$0x1FFD0];
	v37 =	vsel vm13, $0x7, v37;
	v36 =	vsel vm11, $0x8, v36  }
0x73: {  	vm13 =	vnez.u8 v43;
	v36 =	vsel vm8, v37, v36  }
0x74: {  	v48 =	vld [tilespmem:$0x1FFE0];
	v37 =	vsel vm8, $0x8, v37;
	v36 =	vsel vm13, $0x9, v36  }
0x75: {  	vm14 =	vnez.u8 v46;
	v44 =	vpop (erf);
	v36 =	vsel vm7, v37, v36  }
0x76: {  	v49 =	vld [tilespmem:$0x1FFF0];
	v37 =	vsel vm7, $0x9, v37;
	v45 =	vadd.f32 $1.000000000e+00, v44;
	v36 =	vsel vm14, $0xA, v36  }
0x77: {  	vm15 =	vnez.u8 v47;
	v36 =	vsel vm6, v37, v36  }
0x78: {  	v37 =	vsel vm6, $0xA, v37;
	(erf) = vrcp.f32 v45;
	v36 =	vsel vm15, $0xB, v36  }
0x79: {  	vm6 =	vnez.u8 v48;
	v36 =	vsel vm5, v37, v36  }
0x7a: {  	v37 =	vsel vm5, $0xB, v37;
	v36 =	vsel vm6, $0xC, v36  }
0x7b: {  	vm7 =	vnez.u8 v49;
	v36 =	vsel vm4, v37, v36  }
0x7c: {  	v37 =	vsel vm4, $0xC, v37;
	v36 =	vsel vm7, $0xD, v36  }
0x7d: {  	v36 =	vsel vm3, v37, v36  }
0x7e: {  	v37 =	vsel vm3, $0xD, v37;
	v36 =	vsel vm12, $0xE, v36  }
0x7f: {  	v36 =	vsel vm2, v37, v36  }
0x80: {  	v37 =	vsel vm2, $0xE, v37;
	v36 =	vsel vm9, $0xF, v36  }
0x81: {  	v39 =	vpop (erf);
	v36 =	vsel vm1, v37, v36;
	v37 =	vsel vm1, $0xF, v37  }
0x82: {  	v38 =	vmul.f32 v39, v44;
	vm8 =	veq.s32 v37, $0x0  }
0x83: {  	vm9 =	veq.s32 v36, $0x0;
	vm10 =	veq.s32 v37, $0x1;
	vm11 =	veq.s32 v36, $0x1  }
0x84: {  	vm12 =	veq.s32 v37, $0x2;
	vm13 =	veq.s32 v36, $0x2;
	vm14 =	veq.s32 v37, $0x3  }
0x85: {  	vm15 =	veq.s32 v36, $0x3;
	vm4 =	veq.s32 v37, $0x4;
	vm5 =	veq.s32 v36, $0x4  }
0x86: {  	vm6 =	veq.s32 v37, $0x5;
	vm7 =	veq.s32 v36, $0x5;
	v50 =	vnsel vm8, $0x0, v39  }
0x87: {  	v52 =	vnsel vm10, $0x0, v39;
	v54 =	vnsel vm12, $0x0, v39;
	v56 =	vnsel vm14, $0x0, v39  }
0x88: {  	v58 =	vnsel vm4, $0x0, v39;
	v60 =	vnsel vm6, $0x0, v39;
	vm8 =	veq.s32 v37, $0x6  }
0x89: {  	vm10 =	veq.s32 v37, $0x7;
	vm12 =	veq.s32 v37, $0x8;
	vm14 =	veq.s32 v37, $0x9  }
0x8a: {  	vm4 =	veq.s32 v37, $0xA;
	vm6 =	veq.s32 v37, $0xB;
	v51 =	vnsel vm9, $0x0, v38  }
0x8b: {  	v53 =	vnsel vm11, $0x0, v38;
	v55 =	vnsel vm13, $0x0, v38;
	v57 =	vnsel vm15, $0x0, v38  }
0x8c: {  	v59 =	vnsel vm5, $0x0, v38;
	v46 =	vnsel vm7, $0x0, v38;
	vm9 =	veq.s32 v36, $0x6  }
0x8d: {  	v61 =	vnsel vm8, $0x0, v39;
	vm11 =	veq.s32 v36, $0x7;
	v62 =	vnsel vm10, $0x0, v39  }
0x8e: {  	s30 =	sand.u32 $0x70, s17;
	s21 =	sand.u32 $0x400, s18;
	vm13 =	veq.s32 v36, $0x8;
	vm15 =	veq.s32 v36, $0x9;
	v40 =	vadd.f32 v51, v50  }
0x8f: {  	s20 =	sor.u32 s30, s21;
	vm5 =	veq.s32 v36, $0xA;
	vm7 =	veq.s32 v36, $0xB;
	v41 =	vadd.f32 v53, v52  }
0x90: {  	vm8 =	veq.s32 v37, $0xC;
	v42 =	vadd.f32 v55, v54;
	v43 =	vadd.f32 v57, v56;
	[tilespmem:s20+$0x8000] =	vst v40  }
0x91: {  	vm10 =	veq.s32 v37, $0xD;
	v44 =	vadd.f32 v59, v58;
	v45 =	vadd.f32 v46, v60;
	[tilespmem:s20+$0x8080] =	vst v41  }
0x92: {  	v47 =	vnsel vm9, $0x0, v38;
	v48 =	vnsel vm11, $0x0, v38;
	v49 =	vnsel vm13, $0x0, v38;
	[tilespmem:s20+$0x8100] =	vst v42  }
0x93: {  	v50 =	vnsel vm14, $0x0, v39;
	v51 =	vnsel vm15, $0x0, v38;
	v52 =	vnsel vm4, $0x0, v39;
	[tilespmem:s20+$0x8180] =	vst v43  }
0x94: {  	v53 =	vnsel vm5, $0x0, v38;
	v54 =	vnsel vm6, $0x0, v39;
	v46 =	vadd.f32 v47, v61;
	[tilespmem:s20+$0x8200] =	vst v44  }
0x95: {  	s31 =	sor.u32 s18, s17;
	v55 =	vnsel vm7, $0x0, v38;
	v63 =	vadd.f32 v48, v62;
	v48 =	vnsel vm12, $0x0, v39;
	[tilespmem:s20+$0x8280] =	vst v45  }
0x96: {  	s21 =	sor.u32 $0x380, s31;
	vm9 =	veq.s32 v36, $0xC;
	v57 =	vnsel vm8, $0x0, v39;
	v41 =	vadd.f32 v49, v48;
	[tilespmem:s20+$0x8300] =	vst v46  }
0x97: {  	vm11 =	veq.s32 v36, $0xD;
	v60 =	vnsel vm10, $0x0, v39;
	v42 =	vadd.f32 v51, v50;
	[tilespmem:s21+$0x8000] =	vst v63  }
0x98: {  	vm13 =	veq.s32 v36, $0xE;
	vm14 =	veq.s32 v37, $0xF;
	v43 =	vadd.f32 v53, v52;
	[tilespmem:s20+$0x8800] =	vst v41  }
0x99: {  	vm15 =	veq.s32 v36, $0xF;
	v56 =	vadd.f32 v55, v54;
	v58 =	vnsel vm9, $0x0, v38;
	[tilespmem:s20+$0x8880] =	vst v42  }
0x9a: {  	v61 =	vnsel vm11, $0x0, v38;
	vm12 =	veq.s32 v37, $0xE;
	v59 =	vadd.f32 v58, v57;
	[tilespmem:s20+$0x8900] =	vst v43  }
0x9b: {  	v62 =	vnsel vm12, $0x0, v39;
	v63 =	vnsel vm13, $0x0, v38;
	v42 =	vadd.f32 v61, v60;
	[tilespmem:s20+$0x8980] =	vst v56  }
0x9c: {  	p0 =	sne.s32 s19, $0xF;
	v39 =	vnsel vm14, $0x0, v39;
	v38 =	vnsel vm15, $0x0, v38;
	[tilespmem:s20+$0x8A00] =	vst v59;
	v40 =	vadd.f32 v63, v62  }
.Ltmp0:
0x9d: {  	v38 =	vadd.f32 v38, v39;
	[tilespmem:s20+$0x8A80] =	vst v42;
	(pc) =	sbr.rel @p0 .LBB2_2-.Ltmp0, $4  }
0x9e: {  	[tilespmem:s20+$0x8B00] =	vst v40  }
0x9f: {  	[tilespmem:s20+$0x8B80] =	vst v38  }
0xa0: {  	[tilespmem:v35+s12+$0x0] =	vst.idx.msk $0xffff, v37  }
0xa1: {  	s18 =	sadd.s32 $0x80, s18;
	s17 =	sadd.s32 $0x10, s17;
	s19 =	sadd.s32 $0x1, s19;
	[tilespmem:v34+s12+$0x0] =	vst.idx.msk $0xffff, v36  }
0xa2: {  	[hbm4b:s6+s13] =	stream.strided.scatter [tilespmem:s15], [sflag:$0x1], $0x1000, s14, s13, $0x38;
	[tilespmem:$0x12000] =	vst v63  }
0xa3: {  	s16 =	sadd.s32 $0x1, s16;
	_ =	swait.ge [sflag:s9], $0x1000  }
0xa4: {  	p0 =	sne.s32 s16, s8;
	[sflag:s9] =	ssyncset.done $0x0  }
.Ltmp1:
0xa5: {  	[sflag:s9] =	ssyncadd.s32 $0xFFFFF000;
	(pc) =	sbr.rel @p0 .LBB2_1-.Ltmp1, $4  }
0xa6: {  	[hbm4b:s7+s3] =	stream.linear.scatter [tilespmem:s12], [sflag:$0x1], $0x8000, $0x38;
	[tilespmem:$0x12000] =	vst v63  }
0xa7: {  	_ =	swait.ge [sflag:s9], $0x8000  }
0xa8: {  	[sflag:s9] =	ssyncset.done $0x0  }
0xa9: {  	[sflag:s9] =	ssyncadd.s32 $0xFFFF8000  }
0xaa: {  	_ =	sfence.sel $0x180000  }
0xab: {  	[bflag:$0x0] =	sbarrier.arrive $0xFFFF  }
0xac: {  	p0 =	sne.s32 s1, $0x0;
	_ =	strace $0x90000047  }
0xad: {  	s0 =	sadd.s32 @!p0 $0x100000, s0;
	[bflag:$0x2] =	sbarrier.arrive $0xFFFF  }
0xae: {  	[sflag:s0] =	ssyncadd.tile.s32 @!p0 $0x1;
	_ =	shalt  }
.Lfunc_end2:
_tile_overlayer_lowered:
.L_overlay_start_2:
0xaf: {  	(tag) =	ssettag $0x2  }
0xb0: {  	s0 =	rddreg [dreg:$0x0];
	s2 =	stileid.u32  }
0xb1: {  	s1 =	rddreg [dreg:$0x1];
	p0 =	sne.s32 s2, $0x0  }
0xb2: {  	s3 =	rddreg [dreg:$0x2];
	[bflag:$0x3] =	sbarrier.arrive $0xFFFF;
	s2 =	simm.s32 @!p0 $0x1C01  }
0xb3: {  	[timem:s3], [sflag:s2] =	dma.local @!p0 [hbm:s0], s1  }
0xb4: {  	s0 =	simm.s32 @!p0 $0x1  }
0xb5: {  	_ =	swait.ge @!p0 [sflag:s0], s1  }
0xb6: {  	s1 =	ssub.s32 @!p0 $0x0, s1;
	[sflag:s0] =	ssyncset.done @!p0 $0x0  }
0xb7: {  	[sflag:s0] =	ssyncadd.s32 @!p0 s1  }
0xb8: {  	[bflag:$0x3] =	sbarrier.arrive $0xFFFF  }
0xb9: {  	_ =	shalt  }

// kernel: kernel.9.cloned.1.call-start
scs
__scs_entry_jumppad:
0x0: {  	(pc) =	sbr.rel $0x88, $3  }
0x1: {  	(tag) =	ssettag $0x0;
	lr =	simm.s32 $0x1  }
0x2: {  	[smem:$0x3F9C] =	sst lr;
	_ =	strace $0xD0000000  }
0x3: {  	_ = 	snop  }
0x4: {  	_ = 	snop  }
0x5: {  	_ = 	snop  }
0x6: {  	_ = 	snop  }
0x7: {  	_ = 	snop  }
__scs_overlays_trampoline_lowered:
0x8: {  	[smem:$0x3FAB] =	sst s0  }
0x9: {  	[smem:$0x3FAC] =	sst s1  }
0xa: {  	[smem:$0x3FAD] =	sst s2  }
0xb: {  	[smem:$0x3FAE] =	sst s3  }
0xc: {  	[smem:$0x3FAF] =	sst s4  }
0xd: {  	[smem:$0x3FB0] =	sst s5  }
0xe: {  	[smem:$0x3FB1] =	sst s6  }
0xf: {  	[smem:$0x3FB2] =	sst s7  }
0x10: {  	[smem:$0x3FB3] =	sst s8  }
0x11: {  	[smem:$0x3FB4] =	sst s9;
	s0 =	simm.s32 @!p0 $0x0  }
0x12: {  	s1 =	sld [smem:$0x3F9A];
	s0 =	simm.s32 @p0 $0x1  }
0x13: {  	[smem:$0x3FB5] =	sst s0;
	s0 =	simm.s32 @!p1 $0x0  }
0x14: {  	s2 =	sld [smem:$0x3F99];
	s0 =	simm.s32 @p1 $0x1  }
0x15: {  	[smem:$0x3FB6] =	sst s0;
	s0 =	simm.s32 @!p2 $0x0  }
0x16: {  	s3 =	sld [smem:$0x3FDB];
	s0 =	simm.s32 @p2 $0x1  }
0x17: {  	s4 =	simm.s32 $0x1BF5;
	[smem:$0x3FB8] =	sst s0  }
0x18: {  	s0 =	sld [smem:$0x3F9B];
	_ =	swait.ge [sflag:s4], $0x0  }
0x19: {  	s7 =	sld [smem:$0x3F9C]  }
0x1a: {  	s8 =	sadd.s32 $0xFFFFE003, lr  }
0x1b: {  	s9 =	sadd.s32 $0xFFFFFEF7, lr;
	s5 =	simm.s32 $0xFFFFFFFF;
	p2 =	slt.u32 s8, $0xFFFFF086  }
0x1c: {  	p1 =	slt.u32 s9, $0xF7A;
	s5 =	simm.s32 @!p2 $0x0  }
0x1d: {  	s5 =	simm.s32 @p1 $0x1;
	p0 =	seq.s32 s7, s2  }
0x1e: {  	s7 =	smul.u32 @!p0 $0xF7A, s2;
	p2 =	seq.s32 @!p0 s5, $0x0  }
0x1f: {  	s9 =	smul.u32 $0xF7A, s1;
	s8 =	simm.s32 @!p0 $0x1BF5;
	p2 =	por !p2, p0  }
0x20: {  	[sflag:s8] =	ssyncset.s32 @!p0 $0xFFFFF086;
	s6 =	sadd.s32 @!p0 s3, s7;
	s7 =	simm.s32 @!p0 $0x108  }
0x21: {  	s3 =	sadd.s32 s3, s9;
	s6 =	sadd.s32 @!p0 $0x88, s6;
	s7 =	simm.s32 @p2 $0x1082  }
0x22: {  	[simem:s7], [sflag:s8] =	dma.local @!p0 [hbm:s6], $0xF7A  }
0x23: {  	s9 =	sor.u32 $0xD0000000, s2;
	s6 =	simm.s32 $0x108;
	_ =	swait.ge @!p0 [sflag:s8], $0x0  }
0x24: {  	s3 =	sadd.s32 $0x88, s3;
	s6 =	simm.s32 @!p1 $0x1082;
	[sflag:s4] =	ssyncset.s32 $0xFFFFF086  }
0x25: {  	[simem:s6], [sflag:s4] =	dma.local [hbm:s3], $0xF7A  }
0x26: {  	[smem:$0x3F9C] =	sst s1;
	(tag) =	ssettag s2;
	_ =	strace s9  }
0x27: {  	s1 =	sld [smem:$0x3FAC]  }
0x28: {  	s2 =	sld [smem:$0x3FAD]  }
0x29: {  	s4 =	sld [smem:$0x3FAF]  }
0x2a: {  	p0 =	seq.s32 s5, $0x0;
	s5 =	sld [smem:$0x3FB0]  }
0x2b: {  	s6 =	sld [smem:$0x3FB1]  }
0x2c: {  	s7 =	sld [smem:$0x3FB2]  }
0x2d: {  	s3 =	simm.s32 $0x108;
	s8 =	sld [smem:$0x3FB3]  }
0x2e: {  	s3 =	simm.s32 @!p0 $0x1082;
	s9 =	sld [smem:$0x3FB4]  }
0x2f: {  	lr =	sadd.s32 s0, s3;
	s0 =	sld [smem:$0x3FAB]  }
0x30: {  	s3 =	sld [smem:$0x3FAE]  }
0x31: {  	[smem:$0x3FB7] =	sst s10  }
0x32: {  	s10 =	sld [smem:$0x3FB5];
	_ =	sdelay $0x3  }
0x33: {  	p0 =	seq.s32 s10, $0x1;
	s10 =	sld [smem:$0x3FB7];
	_ =	sdelay $0x3  }
0x34: {  	[smem:$0x3FB7] =	sst s10  }
0x35: {  	s10 =	sld [smem:$0x3FB6];
	_ =	sdelay $0x3  }
0x36: {  	p1 =	seq.s32 s10, $0x1;
	s10 =	sld [smem:$0x3FB7];
	_ =	sdelay $0x3  }
0x37: {  	[smem:$0x3FB7] =	sst s10  }
0x38: {  	s10 =	sld [smem:$0x3FB8]  }
0x39: {  	_ = 	snop;
	(pc) =	sbr.ind lr, $3  }
0x3a: {  	_ = 	snop  }
0x3b: {  	_ = 	snop  }
0x3c: {  	p2 =	seq.s32 s10, $0x1;
	s10 =	sld [smem:$0x3FB7]  }
0x3d: {  	_ =	shalt  }
0x3e: {  	_ =	shalt  }
0x3f: {  	_ =	shalt  }
0x40: {  	_ =	shalt  }
0x41: {  	_ =	shalt  }
0x42: {  	_ =	shalt  }
0x43: {  	_ =	shalt  }
0x44: {  	_ =	shalt  }
0x45: {  	_ =	shalt  }
0x46: {  	_ =	shalt  }
0x47: {  	_ =	shalt  }
0x48: {  	_ =	shalt  }
0x49: {  	_ =	shalt  }
0x4a: {  	_ =	shalt  }
0x4b: {  	_ =	shalt  }
0x4c: {  	_ =	shalt  }
0x4d: {  	_ =	shalt  }
0x4e: {  	_ =	shalt  }
0x4f: {  	_ =	shalt  }
0x50: {  	_ =	shalt  }
0x51: {  	_ =	shalt  }
0x52: {  	_ =	shalt  }
0x53: {  	_ =	shalt  }
0x54: {  	_ =	shalt  }
0x55: {  	_ =	shalt  }
0x56: {  	_ =	shalt  }
0x57: {  	_ =	shalt  }
0x58: {  	_ =	shalt  }
0x59: {  	_ =	shalt  }
0x5a: {  	_ =	shalt  }
0x5b: {  	_ =	shalt  }
0x5c: {  	_ =	shalt  }
0x5d: {  	_ =	shalt  }
0x5e: {  	_ =	shalt  }
0x5f: {  	_ =	shalt  }
0x60: {  	_ =	shalt  }
0x61: {  	_ =	shalt  }
0x62: {  	_ =	shalt  }
0x63: {  	_ =	shalt  }
0x64: {  	_ =	shalt  }
0x65: {  	_ =	shalt  }
0x66: {  	_ =	shalt  }
0x67: {  	_ =	shalt  }
0x68: {  	_ =	shalt  }
0x69: {  	_ =	shalt  }
0x6a: {  	_ =	shalt  }
0x6b: {  	_ =	shalt  }
0x6c: {  	_ =	shalt  }
0x6d: {  	_ =	shalt  }
0x6e: {  	_ =	shalt  }
0x6f: {  	_ =	shalt  }
0x70: {  	_ =	shalt  }
0x71: {  	_ =	shalt  }
0x72: {  	_ =	shalt  }
0x73: {  	_ =	shalt  }
0x74: {  	_ =	shalt  }
0x75: {  	_ =	shalt  }
0x76: {  	_ =	shalt  }
0x77: {  	_ =	shalt  }
0x78: {  	_ =	shalt  }
0x79: {  	_ =	shalt  }
0x7a: {  	_ =	shalt  }
0x7b: {  	_ =	shalt  }
0x7c: {  	_ =	shalt  }
0x7d: {  	_ =	shalt  }
0x7e: {  	_ =	shalt  }
0x7f: {  	_ =	shalt  }
0x80: {  	_ =	shalt  }
0x81: {  	_ =	shalt  }
0x82: {  	_ =	shalt  }
0x83: {  	_ =	shalt  }
0x84: {  	_ =	shalt  }
0x85: {  	_ =	shalt  }
0x86: {  	_ =	shalt  }
0x87: {  	_ =	shalt  }
.Lfunc_end0:
.L_simem_size_0:
called_computation.1_lowered:
.L_overlay_start_0:
0x88: {  	s2 =	sld [smem:$0x3FD9]  }
0x89: {  	s3 =	sld [smem:$0x3FFE];
	_ =	sdelay $0x1  }
0x8a: {  	s1 =	srdreg.scid  }
0x8b: {  	s0 =	sand.u32 $0x1, s1  }
0x8c: {  	s15 =	sshll.u32 s0, $0xA;
	s2 =	sadd.s32 s3, s2  }
0x8d: {  	s2 =	sadd.s32 s2, s15  }
0x8e: {  	[smem:$0x3FC3] =	sst s2  }
0x8f: {  	_ = 	snop  }
0x90: {  	s2 =	sld [smem:$0x3FD0];
	_ =	sdelay $0x2  }
0x91: {  	s4 =	simm.s32 $0xB;
	s16 =	simm.s32 $0x10  }
0x92: {  	[smem:s16], [sflag:s4] =	dma.local [hbm:s2], $0x1  }
0x93: {  	_ =	swait.eq [sflag:s4], $0x1  }
0x94: {  	[sflag:s4] =	ssyncset.done $0x0  }
0x95: {  	s17 =	sld [smem:$0x10];
	[sflag:s4] =	ssyncadd.s32 $0xFFFFFFFF  }
0x96: {  	s18 =	sld [smem:$0x11];
	(tm) =	ssettm $0x1  }
0x97: {  	s19 =	sld [smem:$0x3FFB];
	_ =	sdelay $0x3  }
0x98: {  	_ =	strace s19  }
0x99: {  	s2 =	sld [smem:$0x3FFC];
	_ =	sdelay $0x3  }
0x9a: {  	_ =	strace s2  }
0x9b: {  	s2 =	sld [smem:$0x3FFD];
	_ =	sdelay $0x3  }
0x9c: {  	_ =	strace s2  }
0x9d: {  	_ =	strace $0x8FFFFFFF  }
0x9e: {  	s20 =	sld [smem:$0x3FDB];
	_ =	sdelay $0x1  }
0x9f: {  	s5 =	simm.s32 $_scs_section_size  }
0xa0: {  	s6 =	simm.s32 $_size__tile_overlayer_lowered;
	s7 =	simm.s32 $_tile_overlayer_lowered  }
0xa1: {  	s8 =	simm.s32 $0x1BFF;
	s21 =	sshll.u32 s7, $0x1;
	s5 =	sadd.s32 s5, s20  }
0xa2: {  	s22 =	simm.s32 $0x0;
	s6 =	sshll.u32 s6, $0x1;
	s7 =	sadd.s32 s21, s5  }
0xa3: {  	[timem:s22], [sflag:s8] =	dma.local [hbm:s7], s6  }
0xa4: {  	_ =	swait.ge [sflag:s8], s6  }
0xa5: {  	s6 =	ssub.s32 $0x0, s6;
	[sflag:s8] =	ssyncset.done $0x0  }
0xa6: {  	[sflag:s8] =	ssyncadd.s32 s6;
	_ =	sdelay $0x1  }
0xa7: {  	s23 =	simm.s32 $0x1B8B  }
0xa8: {  	_ =	swait.ge [sflag:s23], $0x1  }
0xa9: {  	[sflag:s23] =	ssyncset.done $0x0  }
0xaa: {  	[sflag:s23] =	ssyncadd.s32 $0xFFFFFFFF  }
0xab: {  	s6 =	sld [smem:$0x0]  }
0xac: {  	s7 =	sand.u32 $0xFFFFFFFE, s1  }
0xad: {  	p0 =	sne.s32 s1, s7  }
0xae: {  	s7 =	sshll.u32 @p0 s7, $0xE  }
0xaf: {  	s7 =	sadd.s32 @p0 $0x11B8D, s7;
	s8 =	sshll.u32 @p0 s6, $0x11  }
0xb0: {  	s7 =	sor.u32 @p0 s8, s7  }
0xb1: {  	[sflag:s7] =	ssyncadd.remote.s32 @p0 $0x1;
	_ =	sdelay $0x1  }
0xb2: {  	s7 =	simm.s32 @p0 $0x1B8D  }
0xb3: {  	_ =	swait.eq @p0 [sflag:s7], $0x1  }
0xb4: {  	[sflag:s7] =	ssyncadd.s32 @p0 $0xFFFFFFFF  }
0xb5: {  	s8 =	sshll.u32 @!p0 s1, $0xE  }
0xb6: {  	s8 =	sor.u32 @!p0 $0x4000, s8;
	s7 =	simm.s32 @!p0 $0x1B8D  }
0xb7: {  	s6 =	sshll.u32 @!p0 s6, $0x11;
	s8 =	sadd.s32 @!p0 $0x11B8D, s8;
	_ =	swait.eq @!p0 [sflag:s7], $0x1  }
0xb8: {  	s6 =	sor.u32 @!p0 s6, s8;
	[sflag:s7] =	ssyncadd.s32 @!p0 $0xFFFFFFFF  }
0xb9: {  	s25 =	simm.s32 $0x1B8E;
	s24 =	sld [smem:$0x3FFE];
	[sflag:s6] =	ssyncadd.remote.s32 @!p0 $0x1  }
0xba: {  	s26 =	simm.s32 $execute0_lowered;
	[smem:$0x3FD2] =	sst s25  }
0xbb: {  	s7 =	sshll.u32 s26, $0x1;
	_ =	strace $0x80000049;
	[dreg:$0x1] =	wrdreg $0xFFFFFFFF  }
0xbc: {  	s28 =	simm.s32 $_size_execute0_lowered;
	s5 =	sadd.s32 s5, s7;
	[dreg:$0x0] =	wrdreg $0x0  }
0xbd: {  	s7 =	sshll.u32 s28, $0x1;
	[dreg:$0x2] =	wrdreg s5  }
0xbe: {  	[dreg:$0x3] =	wrdreg s7  }
0xbf: {  	[dreg:$0x4] =	wrdreg $0xC0  }
0xc0: {  	_ =	task [dreg:s22], $0x5FFFF  }
0xc1: {  	[dreg:$0x1] =	wrdreg $0xFFFFFFFF  }
0xc2: {  	[dreg:$0x0] =	wrdreg $0x60  }
0xc3: {  	[dreg:$0x2] =	wrdreg s24  }
0xc4: {  	[dreg:$0x3] =	wrdreg s18  }
0xc5: {  	[dreg:$0x4] =	wrdreg s17  }
0xc6: {  	[dreg:$0x5] =	wrdreg $0xA  }
0xc7: {  	_ =	task.clear_ibuf [dreg:s22], $0x6FFFF;
	_ =	strace $0x90000049  }
0xc8: {  	s29 =	simm.s32 $0xA;
	_ =	strace $0x8000004B  }
0xc9: {  	_ =	swait.ge [sflag:s29], $0x1  }
0xca: {  	[sflag:s29] =	ssyncadd.s32 $0xFFFFFFFF  }
0xcb: {  	_ =	strace $0x9000004B  }
0xcc: {  	_ =	sfence  }
0xcd: {  	s30 =	sld [smem:$0x0];
	_ =	sdelay $0x2  }
0xce: {  	s31 =	sshll.u32 s1, $0xD;
	s1 =	sshrl.u32 s1, $0x2  }
0xcf: {  	s4 =	sand.u32 $0x4000, s31;
	s1 =	sadd.s32 s1, s30  }
0xd0: {  	s0 =	sor.u32 s4, s0;
	s1 =	sshll.u32 s1, $0x11  }
0xd1: {  	s0 =	sor.u32 s1, s0  }
0xd2: {  	s0 =	sadd.s32 $0x8F2B, s0  }
0xd3: {  	[sflag:s0] =	ssyncadd.remote.s32 $0x1  }
0xd4: {  	_ =	sfence.sel $0xFFFF  }
0xd5: {  	[dreg:$0x0] =	wrdreg $0xFFFFFFFF;
	(pc) =	sbr.abs _section_cstart, $3  }
0xd6: {  	[dreg:$0x1] =	wrdreg $0xFFFFFFFF  }
0xd7: {  	_ =	task.clear_ibuf [dreg:s22], $0x2FFFF;
	_ =	strace $0x9FFFFFFF  }
0xd8: {  	(tm) =	ssettm $0x7FFFFFFF  }
0xd9: {  	_ =	shalt  }
tec
execute0_lowered:
.L_overlay_start_1:
0x0: {  	(tag) =	ssettag $0x1  }
0x1: {  	s4 =	rddreg [dreg:$0x0]  }
0x2: {  	s1 =	rddreg [dreg:$0x1]  }
0x3: {  	s5 =	rddreg [dreg:$0x2]  }
0x4: {  	s0 =	rddreg [dreg:$0x3];
	s3 =	simm.s32 $0x0;
	s6 =	srdreg.scid  }
0x5: {  	s2 =	stileid.u32;
	s11 =	simm.s32 $0x11800;
	s12 =	simm.s32 $0x9000  }
0x6: {  	v0 =	vlaneseq.u32;
	s13 =	simm.s32 $0x800;
	s14 =	simm.s32 $0x20000;
	s15 =	simm.s32 $0x8000  }
0x7: {  	[smem:$0x7FF] =	sst s3;
	s6 =	sand.u32 $0x1, s6;
	s7 =	sshll.u32 s2, $0x1;
	v1 =	vmul.u32 $0x80, v0  }
0x8: {  	v17 =	vimm.s32 $0x0;
	s16 =	simm.s32 $0x0;
	_ =	strace $0x8000004A;
	s7 =	sor.u32 s6, s7  }
0x9: {  	s6 =	ssub.s32 $0x2, s6;
	s8 =	sshll.u32 s7, $0x8;
	s7 =	sshll.u32 s7, $0xC;
	v2 =	vor.u32 $0x1, v1;
	v3 =	vor.u32 $0x2, v1;
	v4 =	vor.u32 $0x3, v1  }
0xa: {  	s30 =	sshrl.u32 s6, $0x1;
	v5 =	vor.u32 $0x4, v1;
	v6 =	vor.u32 $0x5, v1;
	v7 =	vor.u32 $0x6, v1;
	s9 =	sadd.s32 s8, s4;
	s7 =	sadd.s32 s7, s4  }
0xb: {  	v8 =	vor.u32 $0x7, v1;
	v9 =	vor.u32 $0x8, v1;
	v10 =	vor.u32 $0x9, v1;
	s10 =	ssub.s32 s6, s30;
	s31 =	sadd.s32 s8, s5;
	s4 =	sadd.s32 $0x4C000, s7  }
0xc: {  	v11 =	vor.u32 $0xA, v1;
	v12 =	vor.u32 $0xB, v1;
	v13 =	vor.u32 $0xC, v1;
	s5 =	sadd.s32 $0x6C000, s9;
	s6 =	sadd.s32 $0x2000, s31;
	s7 =	sadd.s32 $0x6E000, s7  }
0xd: {  	v14 =	vor.u32 $0xD, v1;
	v15 =	vor.u32 $0xE, v1;
	v16 =	vor.u32 $0xF, v1;
	s8 =	smax.u32 s10, $0x1;
	s9 =	simm.s32 $0x1;
	s10 =	simm.s32 $0x11000  }
.LBB2_1:
0xe: {  	[tilespmem:s3], [sflag:$0x1] =	stream.linear.gather [hbm4b:s4+s3], $0x8000, $0x38;
	[tilespmem:$0x12000] =	vst v63  }
0xf: {  	_ =	swait.ge [sflag:s9], $0x8000  }
0x10: {  	[sflag:s9] =	ssyncset.done $0x0  }
0x11: {  	[sflag:s9] =	ssyncadd.s32 $0xFFFF8000  }
0x12: {  	[tilespmem:s10], [sflag:$0x1] =	stream.linear.gather [hbm4b:s5+s3], $0x800, $0x38;
	[tilespmem:$0x12000] =	vst v63  }
0x13: {  	_ =	swait.ge [sflag:s9], $0x800  }
0x14: {  	[sflag:s9] =	ssyncset.done $0x0  }
0x15: {  	[sflag:s9] =	ssyncadd.s32 $0xFFFFF800  }
0x16: {  	[tilespmem:s11], [sflag:$0x1] =	stream.linear.gather [hbm4b:s1+s3], $0x800, $0x38;
	[tilespmem:$0x12000] =	vst v63  }
0x17: {  	_ =	swait.ge [sflag:s9], $0x800  }
0x18: {  	[sflag:s9] =	ssyncset.done $0x0  }
0x19: {  	[sflag:s9] =	ssyncadd.s32 $0xFFFFF800  }
0x1a: {  	v18 =	vld.idx.msk [tilespmem:v1+s11+$0x0], $0xffff  }
0x1b: {  	v19 =	vld.idx.msk [tilespmem:v2+s11+$0x0], $0xffff  }
0x1c: {  	v20 =	vld.idx.msk [tilespmem:v3+s11+$0x0], $0xffff  }
0x1d: {  	v21 =	vld.idx.msk [tilespmem:v4+s11+$0x0], $0xffff  }
0x1e: {  	v22 =	vld.idx.msk [tilespmem:v5+s11+$0x0], $0xffff  }
0x1f: {  	v23 =	vld.idx.msk [tilespmem:v6+s11+$0x0], $0xffff  }
0x20: {  	v24 =	vld.idx.msk [tilespmem:v7+s11+$0x0], $0xffff  }
0x21: {  	v25 =	vld.idx.msk [tilespmem:v8+s11+$0x0], $0xffff  }
0x22: {  	v26 =	vld.idx.msk [tilespmem:v9+s11+$0x0], $0xffff  }
0x23: {  	v27 =	vld.idx.msk [tilespmem:v10+s11+$0x0], $0xffff  }
0x24: {  	v28 =	vld.idx.msk [tilespmem:v11+s11+$0x0], $0xffff  }
0x25: {  	v29 =	vld.idx.msk [tilespmem:v12+s11+$0x0], $0xffff  }
0x26: {  	v30 =	vld.idx.msk [tilespmem:v13+s11+$0x0], $0xffff  }
0x27: {  	v31 =	vld.idx.msk [tilespmem:v14+s11+$0x0], $0xffff  }
0x28: {  	v32 =	vld.idx.msk [tilespmem:v15+s11+$0x0], $0xffff  }
0x29: {  	s17 =	simm.s32 $0x0;
	s18 =	simm.s32 $0x0;
	s19 =	simm.s32 $0x0;
	v33 =	vld.idx.msk [tilespmem:v16+s11+$0x0], $0xffff  }
.LBB2_2:
0x2a: {  	s20 =	sshll.u32 s19, $0x7;
	v34 =	vmov s17  }
0x2b: {  	v36 =	vor.u32 s20, v0;
	v34 =	vshll.u32 v34, $0x7  }
0x2c: {  	v35 =	vor.u32 v1, v34  }
0x2d: {  	v34 =	vor.u32 $0x1, v35  }
0x2e: {  	v38 =	vor.u32 $0x2, v35  }
0x2f: {  	v41 =	vor.u32 $0x3, v35  }
0x30: {  	v36 =	vld.idx.msk [tilespmem:v36+s10+$0x0], $0xffff  }
0x31: {  	v37 =	vld.idx.msk [tilespmem:v35+s3+$0x0], $0xffff  }
0x32: {  	v43 =	vimm.s32 $0x0;
	v44 =	vimm.s32 $0x0;
	v50 =	vimm.s32 $0x0;
	v39 =	vld.idx.msk [tilespmem:v34+s3+$0x0], $0xffff  }
0x33: {  	v45 =	vimm.s32 $0x0;
	v53 =	vimm.s32 $0x0;
	v56 =	vimm.s32 $0x0;
	v38 =	vld.idx.msk [tilespmem:v38+s3+$0x0], $0xffff  }
0x34: {  	v59 =	vimm.s32 $0x0;
	v47 =	vimm.s32 $0x0;
	v61 =	vor.u32 $0x4, v35;
	v41 =	vld.idx.msk [tilespmem:v41+s3+$0x0], $0xffff  }
0x35: {  	v62 =	vor.u32 $0x5, v35;
	v51 =	vor.u32 $0x6, v35;
	v40 =	vmul.f32 v36, v18  }
0x36: {  	v54 =	vor.u32 $0x7, v35;
	v60 =	vmul.f32 v36, v19;
	v42 =	vmul.f32 v36, v20  }
0x37: {  	v57 =	vor.u32 $0x8, v35;
	v49 =	vmul.f32 v36, v21;
	v52 =	vmul.f32 v36, v22  }
0x38: {  	v55 =	vmul.f32 v36, v23;
	v37 =	vadd.f32 v40, v37;
	v39 =	vadd.f32 v39, v60  }
0x39: {  	v58 =	vmul.f32 v36, v24;
	v38 =	vadd.f32 v38, v42;
	v40 =	vld.idx.msk [tilespmem:v61+s3+$0x0], $0xffff;
	v41 =	vadd.f32 v41, v49  }
0x3a: {  	v60 =	vor.u32 $0x9, v35;
	v61 =	vmul.f32 v36, v25;
	vm0 =	vgt.f32 v37, $-Inf  }
0x3b: {  	vm13 =	vlt.f32 v39, $-Inf;
	vm1 =	vgt.f32 v39, $-Inf;
	v37 =	vnsel vm0, $0xFF800000, v37  }
0x3c: {  	v49 =	vimm.s32 $0x0;
	vm9 =	vmor vm1, vm13;
	vm2 =	vgt.f32 v39, v37  }
0x3d: {  	v63 =	vnsel vm9, $0xFF800000, v39;
	v43 =	vsel vm2, $0xFFFFFFFF, v43;
	vm14 =	vmneg vm2  }
0x3e: {  	v40 =	vadd.f32 v40, v52;
	v52 =	vimm.s32 $0x0;
	v48 =	vsel vm14, v63, v37  }
0x3f: {  	v44 =	vsel vm14, $0xFFFFFFFF, v44;
	v37 =	vsel vm14, v37, v39;
	vm15 =	vgt.f32 v38, v48  }
0x40: {  	[tilespmem:$0x1FF20] =	vst v43;
	v43 =	vld.idx.msk [tilespmem:v62+s3+$0x0], $0xffff;
	v62 =	vimm.s32 $0x0;
	vm0 =	vgt.f32 v38, v37;
	v42 =	vsel vm15, v38, v48  }
0x41: {  	v63 =	vor.u32 $0xA, v35;
	v39 =	vsel vm15, $0xFFFFFFFF, v50;
	v42 =	vsel vm0, v37, v42  }
0x42: {  	v48 =	vmul.f32 v36, v26;
	v37 =	vsel vm0, v38, v37;
	vm4 =	vgt.f32 v41, v42  }
0x43: {  	v45 =	vsel vm0, $0xFFFFFFFF, v45;
	[tilespmem:$0x1FF30] =	vst v39;
	v39 =	vld.idx.msk [tilespmem:v51+s3+$0x0], $0xffff;
	vm15 =	vgt.f32 v41, v37;
	v42 =	vsel vm4, v41, v42  }
0x44: {  	v51 =	vmul.f32 v36, v27;
	v38 =	vsel vm4, $0xFFFFFFFF, v53;
	v42 =	vsel vm15, v37, v42  }
0x45: {  	v43 =	vadd.f32 v43, v55;
	v37 =	vsel vm15, v41, v37;
	vm5 =	vgt.f32 v40, v42  }
0x46: {  	v50 =	vor.u32 $0xB, v35;
	[tilespmem:$0x1FF50] =	vst v38;
	v38 =	vld.idx.msk [tilespmem:v54+s3+$0x0], $0xffff;
	vm14 =	vgt.f32 v40, v37;
	v42 =	vsel vm5, v40, v42  }
0x47: {  	v53 =	vor.u32 $0xC, v35;
	v41 =	vsel vm5, $0xFFFFFFFF, v56;
	v42 =	vsel vm14, v37, v42  }
0x48: {  	v39 =	vadd.f32 v39, v58;
	v37 =	vsel vm14, v40, v37;
	vm6 =	vgt.f32 v43, v42  }
0x49: {  	v55 =	vor.u32 $0xD, v35;
	[tilespmem:$0x1FF60] =	vst v41;
	v41 =	vld.idx.msk [tilespmem:v57+s3+$0x0], $0xffff;
	vm10 =	vgt.f32 v43, v37;
	v42 =	vsel vm6, v43, v42  }
0x4a: {  	v54 =	vmul.f32 v36, v28;
	v40 =	vsel vm6, $0xFFFFFFFF, v59;
	v42 =	vsel vm10, v37, v42  }
0x4b: {  	v38 =	vadd.f32 v38, v61;
	v37 =	vsel vm10, v43, v37;
	vm7 =	vgt.f32 v39, v42  }
0x4c: {  	v56 =	vimm.s32 $0x0;
	[tilespmem:$0x1FF70] =	vst v40;
	v40 =	vld.idx.msk [tilespmem:v60+s3+$0x0], $0xffff;
	vm11 =	vgt.f32 v39, v37;
	v42 =	vsel vm7, v39, v42  }
0x4d: {  	v57 =	vmul.f32 v36, v29;
	v43 =	vsel vm7, $0xFFFFFFFF, v62;
	v42 =	vsel vm11, v37, v42  }
0x4e: {  	v41 =	vadd.f32 v41, v48;
	v37 =	vsel vm11, v39, v37;
	vm8 =	vgt.f32 v38, v42  }
0x4f: {  	v58 =	vor.u32 $0xE, v35;
	[tilespmem:$0x1FF80] =	vst v43;
	v43 =	vld.idx.msk [tilespmem:v63+s3+$0x0], $0xffff;
	vm13 =	vgt.f32 v38, v37;
	v42 =	vsel vm8, v38, v42  }
0x50: {  	v59 =	vimm.s32 $0x0;
	v39 =	vsel vm8, $0xFFFFFFFF, v49;
	v42 =	vsel vm13, v37, v42  }
0x51: {  	v40 =	vadd.f32 v40, v51;
	v37 =	vsel vm13, v38, v37;
	vm4 =	vgt.f32 v41, v42  }
0x52: {  	v61 =	vor.u32 $0xF, v35;
	[tilespmem:$0x1FF90] =	vst v39;
	v39 =	vld.idx.msk [tilespmem:v50+s3+$0x0], $0xffff;
	vm8 =	vgt.f32 v41, v37;
	v42 =	vsel vm4, v41, v42  }
0x53: {  	v60 =	vmul.f32 v36, v30;
	v38 =	vsel vm4, $0xFFFFFFFF, v52;
	v42 =	vsel vm8, v37, v42  }
0x54: {  	[tilespmem:$0x1FF10] =	vst v44;
	v43 =	vadd.f32 v43, v54;
	v37 =	vsel vm8, v41, v37;
	vm5 =	vgt.f32 v40, v42  }
0x55: {  	v62 =	vimm.s32 $0x0;
	[tilespmem:$0x1FFA0] =	vst v38;
	v38 =	vld.idx.msk [tilespmem:v53+s3+$0x0], $0xffff;
	vm7 =	vgt.f32 v40, v37;
	v42 =	vsel vm5, v40, v42  }
0x56: {  	[tilespmem:$0x1FF40] =	vst v45;
	v63 =	vmul.f32 v36, v31;
	v41 =	vld.idx.msk [tilespmem:v55+s3+$0x0], $0xffff;
	v45 =	vsel vm5, $0xFFFFFFFF, v56;
	v42 =	vsel vm7, v37, v42  }
0x57: {  	v53 =	vld [tilespmem:$0x1FF10];
	v39 =	vadd.f32 v39, v57;
	v37 =	vsel vm7, v40, v37;
	vm6 =	vgt.f32 v43, v42  }
0x58: {  	[tilespmem:$0x1FFB0] =	vst v45;
	v45 =	vsel vm6, $0xFFFFFFFF, v59;
	v42 =	vsel vm6, v43, v42;
	vm6 =	vgt.f32 v43, v37  }
0x59: {  	v49 =	vmul.f32 v36, v32;
	v36 =	vmul.f32 v36, v33;
	v42 =	vsel vm6, v37, v42  }
0x5a: {  	v50 =	vimm.s32 $0x0;
	v37 =	vsel vm6, v43, v37;
	vm12 =	vgt.f32 v39, v42  }
0x5b: {  	v40 =	vld.idx.msk [tilespmem:v58+s3+$0x0], $0xffff;
	v38 =	vadd.f32 v38, v60;
	vm5 =	vgt.f32 v39, v37;
	v42 =	vsel vm12, v39, v42  }
0x5c: {  	v55 =	vld [tilespmem:$0x1FF20];
	v41 =	vadd.f32 v41, v63;
	vm0 =	vnez.u8 v53;
	v42 =	vsel vm5, v37, v42  }
0x5d: {  	v43 =	vld.idx.msk [tilespmem:v61+s3+$0x0], $0xffff;
	vm0 =	vmand vm9, vm0;
	v37 =	vsel vm5, v39, v37;
	vm4 =	vgt.f32 v38, v42  }
0x5e: {  	[tilespmem:$0x1FFC0] =	vst v45;
	v39 =	vsel vm4, $0xFFFFFFFF, v47;
	v48 =	vsel vm4, v38, v42;
	vm4 =	vgt.f32 v38, v37  }
0x5f: {  	v56 =	vld [tilespmem:$0x1FF30];
	v54 =	vsel vm0, $0x1, v17;
	v45 =	vsel vm12, $0xFFFFFFFF, v62;
	[tilespmem:$0x1FFE0] =	vst v39;
	v39 =	vsel vm4, v37, v48  }
0x60: {  	v52 =	vadd.f32 v40, v49;
	v37 =	vsel vm4, v38, v37;
	vm12 =	vgt.f32 v41, v39  }
0x61: {  	v57 =	vld [tilespmem:$0x1FF40];
	vm3 =	vgt.f32 v41, v37;
	v38 =	vsel vm12, $0xFFFFFFFF, v50;
	v51 =	vsel vm12, v41, v39  }
0x62: {  	vm0 =	vnez.u8 v55;
	v36 =	vadd.f32 v43, v36;
	[tilespmem:$0x1FFF0] =	vst v38;
	v38 =	vsel vm3, v37, v51  }
0x63: {  	v59 =	vld [tilespmem:$0x1FF50];
	v39 =	vsel vm0, $0x1, v17;
	v37 =	vsel vm3, v41, v37;
	vm12 =	vgt.f32 v52, v38  }
0x64: {  	vm0 =	vnez.u8 v56;
	vm2 =	vgt.f32 v52, v37;
	v38 =	vsel vm12, v52, v38  }
0x65: {  	v60 =	vld [tilespmem:$0x1FF60];
	v40 =	vsel vm0, $0x2, v54;
	v38 =	vsel vm2, v37, v38;
	v37 =	vsel vm2, v52, v37  }
0x66: {  	vm0 =	vnez.u8 v57;
	vm9 =	vgt.f32 v36, v38;
	vm1 =	vgt.f32 v36, v37  }
0x67: {  	v63 =	vld [tilespmem:$0x1FF70];
	v58 =	vsel vm0, $0x2, v39;
	v38 =	vsel vm9, v36, v38;
	v36 =	vsel vm1, v36, v37  }
0x68: {  	v38 =	vsel vm1, v37, v38;
	v37 =	vsel vm0, v39, v40;
	vm0 =	vnez.u8 v59  }
0x69: {  	v40 =	vld [tilespmem:$0x1FF80];
	v36 =	vsub.f32 v38, v36;
	v37 =	vsel vm0, $0x3, v37  }
0x6a: {  	v38 =	vsel vm15, $0x3, v58;
	v37 =	vsel vm15, v58, v37;
	vm15 =	vnez.u8 v60  }
0x6b: {  	v41 =	vld [tilespmem:$0x1FF90];
	v36 =	vmul.f32 $1.442695020e+00, v36;
	v37 =	vsel vm15, $0x4, v37  }
0x6c: {  	v62 =	vsel vm14, $0x4, v38;
	v61 =	vsel vm14, v38, v37;
	vm14 =	vnez.u8 v63  }
0x6d: {  	v42 =	vld [tilespmem:$0x1FFA0];
	(erf) = vpow2.f32 v36;
	v36 =	vsel vm14, $0x5, v61  }
0x6e: {  	vm15 =	vnez.u8 v40;
	v36 =	vsel vm10, v62, v36  }
0x6f: {  	v43 =	vld [tilespmem:$0x1FFB0];
	v37 =	vsel vm10, $0x5, v62;
	v36 =	vsel vm15, $0x6, v36  }
0x70: {  	vm10 =	vnez.u8 v41;
	v36 =	vsel vm11, v37, v36  }
0x71: {  	v46 =	vld [tilespmem:$0x1FFC0];
	v37 =	vsel vm11, $0x6, v37;
	v36 =	vsel vm10, $0x7, v36  }
0x72: {  	[tilespmem:$0x1FFD0] =	vst v45;
	vm11 =	vnez.u8 v42;
	v36 =	vsel vm13, v37, v36  }
0x73: {  	v47 =	vld [tilespmem:$0x1FFD0];
	v37 =	vsel vm13, $0x7, v37;
	v36 =	vsel vm11, $0x8, v36  }
0x74: {  	vm13 =	vnez.u8 v43;
	v36 =	vsel vm8, v37, v36  }
0x75: {  	v48 =	vld [tilespmem:$0x1FFE0];
	v37 =	vsel vm8, $0x8, v37;
	v36 =	vsel vm13, $0x9, v36  }
0x76: {  	vm14 =	vnez.u8 v46;
	v44 =	vpop (erf);
	v36 =	vsel vm7, v37, v36  }
0x77: {  	v49 =	vld [tilespmem:$0x1FFF0];
	v37 =	vsel vm7, $0x9, v37;
	v45 =	vadd.f32 $1.000000000e+00, v44;
	v36 =	vsel vm14, $0xA, v36  }
0x78: {  	vm15 =	vnez.u8 v47;
	v36 =	vsel vm6, v37, v36  }
0x79: {  	v37 =	vsel vm6, $0xA, v37;
	(erf) = vrcp.f32 v45;
	v36 =	vsel vm15, $0xB, v36  }
0x7a: {  	vm6 =	vnez.u8 v48;
	v36 =	vsel vm5, v37, v36  }
0x7b: {  	v37 =	vsel vm5, $0xB, v37;
	v36 =	vsel vm6, $0xC, v36  }
0x7c: {  	vm7 =	vnez.u8 v49;
	v36 =	vsel vm4, v37, v36  }
0x7d: {  	v37 =	vsel vm4, $0xC, v37;
	v36 =	vsel vm7, $0xD, v36  }
0x7e: {  	v36 =	vsel vm3, v37, v36  }
0x7f: {  	v37 =	vsel vm3, $0xD, v37;
	v36 =	vsel vm12, $0xE, v36  }
0x80: {  	v36 =	vsel vm2, v37, v36  }
0x81: {  	v37 =	vsel vm2, $0xE, v37;
	v36 =	vsel vm9, $0xF, v36  }
0x82: {  	v39 =	vpop (erf);
	v36 =	vsel vm1, v37, v36;
	v37 =	vsel vm1, $0xF, v37  }
0x83: {  	v38 =	vmul.f32 v39, v44;
	vm8 =	veq.s32 v37, $0x0  }
0x84: {  	vm9 =	veq.s32 v36, $0x0;
	vm10 =	veq.s32 v37, $0x1;
	vm11 =	veq.s32 v36, $0x1  }
0x85: {  	vm12 =	veq.s32 v37, $0x2;
	vm13 =	veq.s32 v36, $0x2;
	vm14 =	veq.s32 v37, $0x3  }
0x86: {  	vm15 =	veq.s32 v36, $0x3;
	vm4 =	veq.s32 v37, $0x4;
	vm5 =	veq.s32 v36, $0x4  }
0x87: {  	vm6 =	veq.s32 v37, $0x5;
	vm7 =	veq.s32 v36, $0x5;
	v50 =	vnsel vm8, $0x0, v39  }
0x88: {  	v52 =	vnsel vm10, $0x0, v39;
	v54 =	vnsel vm12, $0x0, v39;
	v56 =	vnsel vm14, $0x0, v39  }
0x89: {  	v58 =	vnsel vm4, $0x0, v39;
	v60 =	vnsel vm6, $0x0, v39;
	vm8 =	veq.s32 v37, $0x6  }
0x8a: {  	vm10 =	veq.s32 v37, $0x7;
	vm12 =	veq.s32 v37, $0x8;
	vm14 =	veq.s32 v37, $0x9  }
0x8b: {  	vm4 =	veq.s32 v37, $0xA;
	vm6 =	veq.s32 v37, $0xB;
	v51 =	vnsel vm9, $0x0, v38  }
0x8c: {  	v53 =	vnsel vm11, $0x0, v38;
	v55 =	vnsel vm13, $0x0, v38;
	v57 =	vnsel vm15, $0x0, v38  }
0x8d: {  	v59 =	vnsel vm5, $0x0, v38;
	v46 =	vnsel vm7, $0x0, v38;
	vm9 =	veq.s32 v36, $0x6  }
0x8e: {  	v61 =	vnsel vm8, $0x0, v39;
	vm11 =	veq.s32 v36, $0x7;
	v62 =	vnsel vm10, $0x0, v39  }
0x8f: {  	s30 =	sand.u32 $0x70, s17;
	s21 =	sand.u32 $0x400, s18;
	vm13 =	veq.s32 v36, $0x8;
	vm15 =	veq.s32 v36, $0x9;
	v40 =	vadd.f32 v51, v50  }
0x90: {  	s20 =	sor.u32 s30, s21;
	vm5 =	veq.s32 v36, $0xA;
	vm7 =	veq.s32 v36, $0xB;
	v41 =	vadd.f32 v53, v52  }
0x91: {  	vm8 =	veq.s32 v37, $0xC;
	v42 =	vadd.f32 v55, v54;
	v43 =	vadd.f32 v57, v56;
	[tilespmem:s20+$0x8000] =	vst v40  }
0x92: {  	vm10 =	veq.s32 v37, $0xD;
	v44 =	vadd.f32 v59, v58;
	v45 =	vadd.f32 v46, v60;
	[tilespmem:s20+$0x8080] =	vst v41  }
0x93: {  	v47 =	vnsel vm9, $0x0, v38;
	v48 =	vnsel vm11, $0x0, v38;
	v49 =	vnsel vm13, $0x0, v38;
	[tilespmem:s20+$0x8100] =	vst v42  }
0x94: {  	v50 =	vnsel vm14, $0x0, v39;
	v51 =	vnsel vm15, $0x0, v38;
	v52 =	vnsel vm4, $0x0, v39;
	[tilespmem:s20+$0x8180] =	vst v43  }
0x95: {  	v53 =	vnsel vm5, $0x0, v38;
	v54 =	vnsel vm6, $0x0, v39;
	v46 =	vadd.f32 v47, v61;
	[tilespmem:s20+$0x8200] =	vst v44  }
0x96: {  	s31 =	sor.u32 s18, s17;
	v55 =	vnsel vm7, $0x0, v38;
	v63 =	vadd.f32 v48, v62;
	v48 =	vnsel vm12, $0x0, v39;
	[tilespmem:s20+$0x8280] =	vst v45  }
0x97: {  	s21 =	sor.u32 $0x380, s31;
	vm9 =	veq.s32 v36, $0xC;
	v57 =	vnsel vm8, $0x0, v39;
	v41 =	vadd.f32 v49, v48;
	[tilespmem:s20+$0x8300] =	vst v46  }
0x98: {  	vm11 =	veq.s32 v36, $0xD;
	v60 =	vnsel vm10, $0x0, v39;
	v42 =	vadd.f32 v51, v50;
	[tilespmem:s21+$0x8000] =	vst v63  }
0x99: {  	vm13 =	veq.s32 v36, $0xE;
	vm14 =	veq.s32 v37, $0xF;
	v43 =	vadd.f32 v53, v52;
	[tilespmem:s20+$0x8800] =	vst v41  }
0x9a: {  	vm15 =	veq.s32 v36, $0xF;
	v56 =	vadd.f32 v55, v54;
	v58 =	vnsel vm9, $0x0, v38;
	[tilespmem:s20+$0x8880] =	vst v42  }
0x9b: {  	v61 =	vnsel vm11, $0x0, v38;
	vm12 =	veq.s32 v37, $0xE;
	v59 =	vadd.f32 v58, v57;
	[tilespmem:s20+$0x8900] =	vst v43  }
0x9c: {  	v62 =	vnsel vm12, $0x0, v39;
	v63 =	vnsel vm13, $0x0, v38;
	v42 =	vadd.f32 v61, v60;
	[tilespmem:s20+$0x8980] =	vst v56  }
0x9d: {  	p0 =	sne.s32 s19, $0xF;
	v39 =	vnsel vm14, $0x0, v39;
	v38 =	vnsel vm15, $0x0, v38;
	[tilespmem:s20+$0x8A00] =	vst v59;
	v40 =	vadd.f32 v63, v62  }
.Ltmp0:
0x9e: {  	v38 =	vadd.f32 v38, v39;
	[tilespmem:s20+$0x8A80] =	vst v42;
	(pc) =	sbr.rel @p0 .LBB2_2-.Ltmp0, $4  }
0x9f: {  	[tilespmem:s20+$0x8B00] =	vst v40  }
0xa0: {  	[tilespmem:s20+$0x8B80] =	vst v38  }
0xa1: {  	[tilespmem:v35+s12+$0x0] =	vst.idx.msk $0xffff, v37  }
0xa2: {  	s18 =	sadd.s32 $0x80, s18;
	s17 =	sadd.s32 $0x10, s17;
	s19 =	sadd.s32 $0x1, s19;
	[tilespmem:v34+s12+$0x0] =	vst.idx.msk $0xffff, v36  }
0xa3: {  	[hbm4b:s6+s13] =	stream.strided.scatter [tilespmem:s15], [sflag:$0x1], $0x1000, s14, s13, $0x38;
	[tilespmem:$0x12000] =	vst v63  }
0xa4: {  	s16 =	sadd.s32 $0x1, s16;
	_ =	swait.ge [sflag:s9], $0x1000  }
0xa5: {  	p0 =	sne.s32 s16, s8;
	[sflag:s9] =	ssyncset.done $0x0  }
.Ltmp1:
0xa6: {  	[sflag:s9] =	ssyncadd.s32 $0xFFFFF000;
	(pc) =	sbr.rel @p0 .LBB2_1-.Ltmp1, $4  }
0xa7: {  	[hbm4b:s7+s3] =	stream.linear.scatter [tilespmem:s12], [sflag:$0x1], $0x8000, $0x38;
	[tilespmem:$0x12000] =	vst v63  }
0xa8: {  	_ =	swait.ge [sflag:s9], $0x8000  }
0xa9: {  	[sflag:s9] =	ssyncset.done $0x0  }
0xaa: {  	[sflag:s9] =	ssyncadd.s32 $0xFFFF8000  }
0xab: {  	_ =	sfence.sel $0x180000  }
0xac: {  	[bflag:$0x0] =	sbarrier.arrive $0xFFFF  }
0xad: {  	p0 =	sne.s32 s2, $0x0;
	_ =	strace $0x9000004A  }
0xae: {  	s0 =	sadd.s32 @!p0 $0x100000, s0;
	[bflag:$0x2] =	sbarrier.arrive $0xFFFF  }
0xaf: {  	[sflag:s0] =	ssyncadd.tile.s32 @!p0 $0x1;
	_ =	shalt  }
.Lfunc_end2:
_tile_overlayer_lowered:
.L_overlay_start_2:
0xb0: {  	(tag) =	ssettag $0x2  }
0xb1: {  	s0 =	rddreg [dreg:$0x0];
	s2 =	stileid.u32  }
0xb2: {  	s1 =	rddreg [dreg:$0x1];
	p0 =	sne.s32 s2, $0x0  }
0xb3: {  	s3 =	rddreg [dreg:$0x2];
	[bflag:$0x3] =	sbarrier.arrive $0xFFFF;
	s2 =	simm.s32 @!p0 $0x1C01  }
0xb4: {  	[timem:s3], [sflag:s2] =	dma.local @!p0 [hbm:s0], s1  }
0xb5: {  	s0 =	simm.s32 @!p0 $0x1  }
0xb6: {  	_ =	swait.ge @!p0 [sflag:s0], s1  }
0xb7: {  	s1 =	ssub.s32 @!p0 $0x0, s1;
	[sflag:s0] =	ssyncset.done @!p0 $0x0  }
0xb8: {  	[sflag:s0] =	ssyncadd.s32 @!p0 s1  }
0xb9: {  	[bflag:$0x3] =	sbarrier.arrive $0xFFFF  }
0xba: {  	_ =	shalt  }

</sc_bundles>
